<compile_context>
chip_gen: v7x
topology: tpu7x:2x2x1
jax: 0.10.2.dev20260603
libtpu: 0.0.44.dev20260713+nightly
codegen_flags: <defaults>
</compile_context>

<pallas_src>
import functools

import jax
import jax.numpy as jnp
from jax import lax
from jax.experimental import pallas as pl
from jax.experimental.pallas import tpu as pltpu
from jax.experimental.pallas import tpu_sc as plsc

N = 32768
NUM_MIX = 8
NC = 2
NS = 16
LANES = 16
NW = NC * NS
CHUNK = N // NW
NSLICE = CHUNK // LANES

_CT_F = NUM_MIX * NUM_MIX
_A_OFF = 0
_W2_OFF = 8
_B2_OFF = _W2_OFF + 64
_W3_OFF = _B2_OFF + 8
_B3_OFF = _W3_OFF + 8
_WP_ROWS = _B3_OFF + 1
_NET_F = _CT_F + _WP_ROWS
_ROWS_F = _WP_ROWS * LANES


def _sc_body(obs_hbm, z_hbm, cw_hbm, mean_hbm, std_hbm,
             obs_v, z_v, cw_v, w_v, out_v, sem):
    wid = lax.axis_index("c") * NS + lax.axis_index("s")
    base = wid * CHUNK

    c1 = pltpu.async_copy(obs_hbm.at[pl.ds(base, CHUNK)], obs_v, sem)
    c2 = pltpu.async_copy(z_hbm.at[pl.ds(base, CHUNK)], z_v, sem)
    c3 = pltpu.async_copy(cw_hbm, cw_v, sem)
    c1.wait()
    c2.wait()
    c3.wait()

    @plsc.parallel_loop(0, _WP_ROWS, unroll=1)
    def expand(r):
        for n in range(2):
            idx = jnp.full((LANES,), n * _NET_F + _CT_F + r, jnp.int32)
            w_v[pl.ds((n * _WP_ROWS + r) * LANES, LANES)] = (
                plsc.load_gather(cw_v, [idx]))

    def run_net(nb, carry):
        ctb = nb * _NET_F
        wrb = nb * _ROWS_F
        ob = nb * CHUNK
        is_std = nb == 1

        def row(r):
            return w_v[pl.ds(wrb + r * LANES, LANES)]

        a1 = [row(_A_OFF + j) for j in range(NUM_MIX)]
        b2 = [row(_B2_OFF + i) for i in range(NUM_MIX)]
        w3 = [row(_W3_OFF + i) for i in range(NUM_MIX)]
        b3 = row(_B3_OFF)

        @plsc.parallel_loop(0, NSLICE, unroll=1)
        def slice_body(s):
            o = s * LANES
            obs16 = obs_v[pl.ds(o, LANES)]
            z8 = (z_v[pl.ds(o, LANES)] * NUM_MIX) + ctb

            s1 = []
            for j in range(NUM_MIX):
                cz = plsc.load_gather(cw_v, [z8 + j])
                t = jnp.exp(obs16 * a1[j] + cz)
                s1.append(1.0 / (t + 1.0))

            out = b3
            for i in range(NUM_MIX):
                acc = b2[i]
                for j in range(NUM_MIX):
                    acc = acc + row(_W2_OFF + i * NUM_MIX + j) * s1[j]
                t = jnp.exp(acc)
                out = out + w3[i] * (1.0 / (t + 1.0))

            out_v[pl.ds(ob + o, LANES)] = jnp.where(is_std, jnp.exp(out), out)

        return carry

    lax.fori_loop(0, 2, run_net, 0)

    pltpu.sync_copy(out_v.at[pl.ds(0, CHUNK)], mean_hbm.at[pl.ds(base, CHUNK)])
    pltpu.sync_copy(out_v.at[pl.ds(CHUNK, CHUNK)],
                    std_hbm.at[pl.ds(base, CHUNK)])


def _scratch_types():
    return [
        pltpu.VMEM((CHUNK,), jnp.float32),
        pltpu.VMEM((CHUNK,), jnp.int32),
        pltpu.VMEM((2 * _NET_F,), jnp.float32),
        pltpu.VMEM((2 * _ROWS_F,), jnp.float32),
        pltpu.VMEM((2 * CHUNK,), jnp.float32),
        pltpu.SemaphoreType.DMA,
    ]


@functools.cache
def _sc_call():
    return functools.partial(
        pl.kernel,
        out_type=(
            jax.ShapeDtypeStruct((N,), jnp.float32),
            jax.ShapeDtypeStruct((N,), jnp.float32),
        ),
        mesh=plsc.VectorSubcoreMesh(
            core_axis_name="c", subcore_axis_name="s",
            num_cores=NC, num_subcores=NS,
        ),
        scratch_types=_scratch_types(),
        compiler_params=pltpu.CompilerParams(
            needs_layout_passes=False,
            disable_bounds_checks=True,
            disable_semaphore_checks=True,
        ),
    )(_sc_body)


def _pack_net(W1, b1, W2, b2, W3, b3):
    return jnp.concatenate([
        (-2.0 * (W1[:, 1:].T + b1[None, :])).reshape(-1),
        -2.0 * W1[:, 0],
        (-4.0 * W2).reshape(-1),
        -2.0 * b2 + 2.0 * W2.sum(axis=1),
        2.0 * W3[0],
        b3 - W3[0].sum(),
    ])


def kernel(obs, k, z, mW1, mb1, mW2, mb2, mW3, mb3,
           sW1, sb1, sW2, sb2, sW3, sb3):
    del k
    cw = jnp.concatenate([
        _pack_net(mW1, mb1, mW2, mb2, mW3, mb3),
        _pack_net(sW1, sb1, sW2, sb2, sW3, sb3),
    ])
    mean, std = _sc_call()(obs, z.astype(jnp.int32), cw)
    return mean, std

# --- scband reference (transcript-rebuilt; emitter-appended) ---
"""Pipeline reference for scband-inference-network-75136157876420 (READ-ONLY COPY).

The authoritative reference and input builder live on the scoring server;
editing this copy changes nothing except your own understanding.
"""

import jax, jax.numpy as jnp
import numpy as np

NUM_MIXTURES = 8
NUM_CLUSTERS_MAX = 16
N = 32768


def _init_linear(key, out_f, in_f):
    k1, k2 = jax.random.split(key)
    bound = 1.0 / np.sqrt(in_f)
    W = jax.random.uniform(k1, (out_f, in_f), minval=-bound, maxval=bound, dtype=jnp.float32)
    b = jax.random.uniform(k2, (out_f,), minval=-bound, maxval=bound, dtype=jnp.float32)
    return W, b


def setup_inputs(seed: int = 0) -> dict:
    key = jax.random.key(seed)
    ks = jax.random.split(key, 9)
    obs = jax.random.normal(ks[0], (N,), dtype=jnp.float32)
    k_idx = jax.random.randint(ks[1], (N,), 0, NUM_CLUSTERS_MAX)
    z = jax.random.randint(ks[2], (N,), 0, NUM_MIXTURES)
    # obs_k_z_to_x_mean: Linear(1+num_mixtures, 8) -> Tanh -> Linear(8, 8) -> Tanh -> Linear(8, 1)
    mW1, mb1 = _init_linear(ks[3], 8, 1 + NUM_MIXTURES)
    mW2, mb2 = _init_linear(ks[4], 8, 8)
    mW3, mb3 = _init_linear(ks[5], 1, 8)
    # obs_k_z_to_x_logstd: same architecture
    sW1, sb1 = _init_linear(ks[6], 8, 1 + NUM_MIXTURES)
    sW2, sb2 = _init_linear(ks[7], 8, 8)
    sW3, sb3 = _init_linear(ks[8], 1, 8)
    return {
        'obs': obs, 'k': k_idx, 'z': z,
        'mW1': mW1, 'mb1': mb1, 'mW2': mW2, 'mb2': mb2, 'mW3': mW3, 'mb3': mb3,
        'sW1': sW1, 'sb1': sb1, 'sW2': sW2, 'sb2': sb2, 'sW3': sW3, 'sb3': sb3,
    }


def _mlp(x, W1, b1, W2, b2, W3, b3):
    h = jnp.tanh(x @ W1.T + b1)
    h = jnp.tanh(h @ W2.T + b2)
    return h @ W3.T + b3


def reference(obs, k, z, mW1, mb1, mW2, mb2, mW3, mb3, sW1, sb1, sW2, sb2, sW3, sb3):
    # get_x_2_params(obs, k, z): scatter one-hot of z, concat with obs, run two MLPs
    n = z.shape[0]
    z_one_hot = jnp.zeros((n, NUM_MIXTURES), dtype=jnp.float32).at[jnp.arange(n), z].set(1.0)
    obs_z = jnp.concatenate([obs[:, None], z_one_hot], axis=1)
    mean = _mlp(obs_z, mW1, mb1, mW2, mb2, mW3, mb3)
    std = jnp.exp(_mlp(obs_z, sW1, sb1, sW2, sb2, sW3, sb3))
    return (mean.squeeze(-1), std.squeeze(-1))

if __name__ == "__main__":
    import jax
    _d = setup_inputs()
    print(jax.jit(kernel)(*tuple(_d.values())))

</pallas_src>

<mosaic_0001>
#map = affine_map<(d0, d1) -> (0)>
module attributes {stable_mosaic.version = 14 : i64} {
  func.func @_sc_body(%arg0: i32, %arg1: i32, %arg2: memref<32768xf32, #tpu.memory_space<hbm>>, %arg3: memref<32768xi32, #tpu.memory_space<hbm>>, %arg4: memref<306xf32, #tpu.memory_space<hbm>>, %arg5: memref<32768xf32, #tpu.memory_space<hbm>>, %arg6: memref<32768xf32, #tpu.memory_space<hbm>>, %arg7: memref<1024xf32, #tpu.memory_space<vmem>>, %arg8: memref<1024xi32, #tpu.memory_space<vmem>>, %arg9: memref<306xf32, #tpu.memory_space<vmem>>, %arg10: memref<2848xf32, #tpu.memory_space<vmem>>, %arg11: memref<2048xf32, #tpu.memory_space<vmem>>, %arg12: memref<!tpu.dma_semaphore, #tpu.memory_space<semaphore_mem>>) attributes {dimension_semantics = [#tpu.dimension_semantics<core_parallel>, #tpu.dimension_semantics<subcore_parallel>], iteration_bounds = array<i64: 2, 16>, scalar_prefetch = 0 : i64, scratch_operands = 6 : i64, tpu.core_type = #tpu.core_type<sc_vector_subcore>, window_params = [{transform_indices = #map}, {transform_indices = #map}, {transform_indices = #map}, {transform_indices = #map}, {transform_indices = #map}]} {
    %mul3A = arith.constant 16 : i32
    %mul3A_0 = arith.muli %arg0, %mul3A : i32
    %add3A = arith.addi %mul3A_0, %arg1 : i32
    %mul3A_1 = arith.constant 1024 : i32
    %mul3A_2 = arith.muli %add3A, %mul3A_1 : i32
    %dma_start3A = tpu.memref_slice %arg2[%mul3A_2] : memref<32768xf32, #tpu.memory_space<hbm>> -> memref<1024xf32, #tpu.memory_space<hbm>>
    %dma_start3A_3 = tpu.memref_slice %arg2[%mul3A_2] : memref<32768xf32, #tpu.memory_space<hbm>> -> memref<1024xf32, #tpu.memory_space<hbm>>
    tpu.enqueue_dma source(%dma_start3A_3 : memref<1024xf32, #tpu.memory_space<hbm>>) target(%arg7 : memref<1024xf32, #tpu.memory_space<vmem>>) target_semaphore(%arg12 : memref<!tpu.dma_semaphore, #tpu.memory_space<semaphore_mem>>)
    %dma_start3A_4 = tpu.memref_slice %arg3[%mul3A_2] : memref<32768xi32, #tpu.memory_space<hbm>> -> memref<1024xi32, #tpu.memory_space<hbm>>
    %dma_start3A_5 = tpu.memref_slice %arg3[%mul3A_2] : memref<32768xi32, #tpu.memory_space<hbm>> -> memref<1024xi32, #tpu.memory_space<hbm>>
    tpu.enqueue_dma source(%dma_start3A_5 : memref<1024xi32, #tpu.memory_space<hbm>>) target(%arg8 : memref<1024xi32, #tpu.memory_space<vmem>>) target_semaphore(%arg12 : memref<!tpu.dma_semaphore, #tpu.memory_space<semaphore_mem>>)
    tpu.enqueue_dma source(%arg4 : memref<306xf32, #tpu.memory_space<hbm>>) target(%arg9 : memref<306xf32, #tpu.memory_space<vmem>>) target_semaphore(%arg12 : memref<!tpu.dma_semaphore, #tpu.memory_space<semaphore_mem>>)
    %dma_wait3A = tpu.memref_slice %arg2[%mul3A_2] : memref<32768xf32, #tpu.memory_space<hbm>> -> memref<1024xf32, #tpu.memory_space<hbm>>
    %dma_wait3A_6 = tpu.memref_slice %arg2[%mul3A_2] : memref<32768xf32, #tpu.memory_space<hbm>> -> memref<1024xf32, #tpu.memory_space<hbm>>
    tpu.wait_dma2 semaphore(%arg12 : memref<!tpu.dma_semaphore, #tpu.memory_space<semaphore_mem>>) src(%dma_wait3A_6 : memref<1024xf32, #tpu.memory_space<hbm>>) dst(%arg7 : memref<1024xf32, #tpu.memory_space<vmem>>)
    %dma_wait3A_7 = tpu.memref_slice %arg3[%mul3A_2] : memref<32768xi32, #tpu.memory_space<hbm>> -> memref<1024xi32, #tpu.memory_space<hbm>>
    %dma_wait3A_8 = tpu.memref_slice %arg3[%mul3A_2] : memref<32768xi32, #tpu.memory_space<hbm>> -> memref<1024xi32, #tpu.memory_space<hbm>>
    tpu.wait_dma2 semaphore(%arg12 : memref<!tpu.dma_semaphore, #tpu.memory_space<semaphore_mem>>) src(%dma_wait3A_8 : memref<1024xi32, #tpu.memory_space<hbm>>) dst(%arg8 : memref<1024xi32, #tpu.memory_space<vmem>>)
    tpu.wait_dma2 semaphore(%arg12 : memref<!tpu.dma_semaphore, #tpu.memory_space<semaphore_mem>>) src(%arg4 : memref<306xf32, #tpu.memory_space<hbm>>) dst(%arg9 : memref<306xf32, #tpu.memory_space<vmem>>)
    %parallel_loop3A = arith.constant 0 : i32
    %parallel_loop3A_9 = arith.constant 89 : i32
    %parallel_loop3A_10 = arith.constant 1 : i32
    scf.for %parallel_loop3A_16 = %parallel_loop3A to %parallel_loop3A_9 step %parallel_loop3A_10  : i32 {
      %parallel_loop3A_17 = arith.constant 64 : i32
      %parallel_loop3A_18 = arith.addi %parallel_loop3A_17, %parallel_loop3A_16 : i32
      %parallel_loop3A_19 = vector.broadcast %parallel_loop3A_18 : i32 to vector<16xi32>
      %parallel_loop3A_20 = tpu.vector_load_idx %arg9[%parallel_loop3A_19] : memref<306xf32, #tpu.memory_space<vmem>>[vector<16xi32>], vector<16xf32>,
      %parallel_loop3A_21 = arith.constant 0 : i32
      %parallel_loop3A_22 = arith.addi %parallel_loop3A_21, %parallel_loop3A_16 : i32
      %parallel_loop3A_23 = arith.constant 16 : i32
      %parallel_loop3A_24 = arith.muli %parallel_loop3A_22, %parallel_loop3A_23 : i32
      %parallel_loop3A_25 = arith.index_cast %parallel_loop3A_24 : i32 to index
      %parallel_loop3A_26 = tpu.vector_load %arg10[%parallel_loop3A_25] {strides = array<i32>} : memref<2848xf32, #tpu.memory_space<vmem>>, vector<16xf32>,
      tpu.vector_store %arg10[%parallel_loop3A_25], %parallel_loop3A_20 {strides = array<i32>} : memref<2848xf32, #tpu.memory_space<vmem>>, vector<16xf32>,
      %parallel_loop3A_27 = arith.constant 217 : i32
      %parallel_loop3A_28 = arith.addi %parallel_loop3A_27, %parallel_loop3A_16 : i32
      %parallel_loop3A_29 = vector.broadcast %parallel_loop3A_28 : i32 to vector<16xi32>
      %parallel_loop3A_30 = tpu.vector_load_idx %arg9[%parallel_loop3A_29] : memref<306xf32, #tpu.memory_space<vmem>>[vector<16xi32>], vector<16xf32>,
      %parallel_loop3A_31 = arith.constant 89 : i32
      %parallel_loop3A_32 = arith.addi %parallel_loop3A_31, %parallel_loop3A_16 : i32
      %parallel_loop3A_33 = arith.constant 16 : i32
      %parallel_loop3A_34 = arith.muli %parallel_loop3A_32, %parallel_loop3A_33 : i32
      %parallel_loop3A_35 = arith.index_cast %parallel_loop3A_34 : i32 to index
      %parallel_loop3A_36 = tpu.vector_load %arg10[%parallel_loop3A_35] {strides = array<i32>} : memref<2848xf32, #tpu.memory_space<vmem>>, vector<16xf32>,
      tpu.vector_store %arg10[%parallel_loop3A_35], %parallel_loop3A_30 {strides = array<i32>} : memref<2848xf32, #tpu.memory_space<vmem>>, vector<16xf32>,
    } {sc.loop_unroll_factor = 1 : i64, sc.parallel_access}
    %scan3A = arith.constant 0 : i32
    %scan3A_11 = arith.constant 0 : i32
    %scan3A_12 = arith.constant 2 : i32
    %scan3A_13 = arith.addi %scan3A_11, %scan3A_12 : i32
    %scan3A_14 = arith.constant 1 : i32
    scf.for %scan3A_16 = %scan3A_11 to %scan3A_13 step %scan3A_14  : i32 {
      %mul3A_17 = arith.constant 153 : i32
      %mul3A_18 = arith.muli %scan3A_16, %mul3A_17 : i32
      %mul3A_19 = arith.constant 1424 : i32
      %mul3A_20 = arith.muli %scan3A_16, %mul3A_19 : i32
      %mul3A_21 = arith.constant 1024 : i32
      %mul3A_22 = arith.muli %scan3A_16, %mul3A_21 : i32
      %eq3A = arith.constant 1 : i32
      %eq3A_23 = arith.cmpi eq, %scan3A_16, %eq3A : i32
      %add3A_24 = arith.constant 0 : i32
      %add3A_25 = arith.addi %mul3A_20, %add3A_24 : i32
      %get3A = arith.index_cast %add3A_25 : i32 to index
      %get3A_26 = tpu.vector_load %arg10[%get3A] {strides = array<i32>} : memref<2848xf32, #tpu.memory_space<vmem>>, vector<16xf32>,
      %add3A_27 = arith.constant 16 : i32
      %add3A_28 = arith.addi %mul3A_20, %add3A_27 : i32
      %get3A_29 = arith.index_cast %add3A_28 : i32 to index
      %get3A_30 = tpu.vector_load %arg10[%get3A_29] {strides = array<i32>} : memref<2848xf32, #tpu.memory_space<vmem>>, vector<16xf32>,
      %add3A_31 = arith.constant 32 : i32
      %add3A_32 = arith.addi %mul3A_20, %add3A_31 : i32
      %get3A_33 = arith.index_cast %add3A_32 : i32 to index
      %get3A_34 = tpu.vector_load %arg10[%get3A_33] {strides = array<i32>} : memref<2848xf32, #tpu.memory_space<vmem>>, vector<16xf32>,
      %add3A_35 = arith.constant 48 : i32
      %add3A_36 = arith.addi %mul3A_20, %add3A_35 : i32
      %get3A_37 = arith.index_cast %add3A_36 : i32 to index
      %get3A_38 = tpu.vector_load %arg10[%get3A_37] {strides = array<i32>} : memref<2848xf32, #tpu.memory_space<vmem>>, vector<16xf32>,
      %add3A_39 = arith.constant 64 : i32
      %add3A_40 = arith.addi %mul3A_20, %add3A_39 : i32
      %get3A_41 = arith.index_cast %add3A_40 : i32 to index
      %get3A_42 = tpu.vector_load %arg10[%get3A_41] {strides = array<i32>} : memref<2848xf32, #tpu.memory_space<vmem>>, vector<16xf32>,
      %add3A_43 = arith.constant 80 : i32
      %add3A_44 = arith.addi %mul3A_20, %add3A_43 : i32
      %get3A_45 = arith.index_cast %add3A_44 : i32 to index
      %get3A_46 = tpu.vector_load %arg10[%get3A_45] {strides = array<i32>} : memref<2848xf32, #tpu.memory_space<vmem>>, vector<16xf32>,
      %add3A_47 = arith.constant 96 : i32
      %add3A_48 = arith.addi %mul3A_20, %add3A_47 : i32
      %get3A_49 = arith.index_cast %add3A_48 : i32 to index
      %get3A_50 = tpu.vector_load %arg10[%get3A_49] {strides = array<i32>} : memref<2848xf32, #tpu.memory_space<vmem>>, vector<16xf32>,
      %add3A_51 = arith.constant 112 : i32
      %add3A_52 = arith.addi %mul3A_20, %add3A_51 : i32
      %get3A_53 = arith.index_cast %add3A_52 : i32 to index
      %get3A_54 = tpu.vector_load %arg10[%get3A_53] {strides = array<i32>} : memref<2848xf32, #tpu.memory_space<vmem>>, vector<16xf32>,
      %add3A_55 = arith.constant 1152 : i32
      %add3A_56 = arith.addi %mul3A_20, %add3A_55 : i32
      %get3A_57 = arith.index_cast %add3A_56 : i32 to index
      %get3A_58 = tpu.vector_load %arg10[%get3A_57] {strides = array<i32>} : memref<2848xf32, #tpu.memory_space<vmem>>, vector<16xf32>,
      %add3A_59 = arith.constant 1168 : i32
      %add3A_60 = arith.addi %mul3A_20, %add3A_59 : i32
      %get3A_61 = arith.index_cast %add3A_60 : i32 to index
      %get3A_62 = tpu.vector_load %arg10[%get3A_61] {strides = array<i32>} : memref<2848xf32, #tpu.memory_space<vmem>>, vector<16xf32>,
      %add3A_63 = arith.constant 1184 : i32
      %add3A_64 = arith.addi %mul3A_20, %add3A_63 : i32
      %get3A_65 = arith.index_cast %add3A_64 : i32 to index
      %get3A_66 = tpu.vector_load %arg10[%get3A_65] {strides = array<i32>} : memref<2848xf32, #tpu.memory_space<vmem>>, vector<16xf32>,
      %add3A_67 = arith.constant 1200 : i32
      %add3A_68 = arith.addi %mul3A_20, %add3A_67 : i32
      %get3A_69 = arith.index_cast %add3A_68 : i32 to index
      %get3A_70 = tpu.vector_load %arg10[%get3A_69] {strides = array<i32>} : memref<2848xf32, #tpu.memory_space<vmem>>, vector<16xf32>,
      %add3A_71 = arith.constant 1216 : i32
      %add3A_72 = arith.addi %mul3A_20, %add3A_71 : i32
      %get3A_73 = arith.index_cast %add3A_72 : i32 to index
      %get3A_74 = tpu.vector_load %arg10[%get3A_73] {strides = array<i32>} : memref<2848xf32, #tpu.memory_space<vmem>>, vector<16xf32>,
      %add3A_75 = arith.constant 1232 : i32
      %add3A_76 = arith.addi %mul3A_20, %add3A_75 : i32
      %get3A_77 = arith.index_cast %add3A_76 : i32 to index
      %get3A_78 = tpu.vector_load %arg10[%get3A_77] {strides = array<i32>} : memref<2848xf32, #tpu.memory_space<vmem>>, vector<16xf32>,
      %add3A_79 = arith.constant 1248 : i32
      %add3A_80 = arith.addi %mul3A_20, %add3A_79 : i32
      %get3A_81 = arith.index_cast %add3A_80 : i32 to index
      %get3A_82 = tpu.vector_load %arg10[%get3A_81] {strides = array<i32>} : memref<2848xf32, #tpu.memory_space<vmem>>, vector<16xf32>,
      %add3A_83 = arith.constant 1264 : i32
      %add3A_84 = arith.addi %mul3A_20, %add3A_83 : i32
      %get3A_85 = arith.index_cast %add3A_84 : i32 to index
      %get3A_86 = tpu.vector_load %arg10[%get3A_85] {strides = array<i32>} : memref<2848xf32, #tpu.memory_space<vmem>>, vector<16xf32>,
      %add3A_87 = arith.constant 1280 : i32
      %add3A_88 = arith.addi %mul3A_20, %add3A_87 : i32
      %get3A_89 = arith.index_cast %add3A_88 : i32 to index
      %get3A_90 = tpu.vector_load %arg10[%get3A_89] {strides = array<i32>} : memref<2848xf32, #tpu.memory_space<vmem>>, vector<16xf32>,
      %add3A_91 = arith.constant 1296 : i32
      %add3A_92 = arith.addi %mul3A_20, %add3A_91 : i32
      %get3A_93 = arith.index_cast %add3A_92 : i32 to index
      %get3A_94 = tpu.vector_load %arg10[%get3A_93] {strides = array<i32>} : memref<2848xf32, #tpu.memory_space<vmem>>, vector<16xf32>,
      %add3A_95 = arith.constant 1312 : i32
      %add3A_96 = arith.addi %mul3A_20, %add3A_95 : i32
      %get3A_97 = arith.index_cast %add3A_96 : i32 to index
      %get3A_98 = tpu.vector_load %arg10[%get3A_97] {strides = array<i32>} : memref<2848xf32, #tpu.memory_space<vmem>>, vector<16xf32>,
      %add3A_99 = arith.constant 1328 : i32
      %add3A_100 = arith.addi %mul3A_20, %add3A_99 : i32
      %get3A_101 = arith.index_cast %add3A_100 : i32 to index
      %get3A_102 = tpu.vector_load %arg10[%get3A_101] {strides = array<i32>} : memref<2848xf32, #tpu.memory_space<vmem>>, vector<16xf32>,
      %add3A_103 = arith.constant 1344 : i32
      %add3A_104 = arith.addi %mul3A_20, %add3A_103 : i32
      %get3A_105 = arith.index_cast %add3A_104 : i32 to index
      %get3A_106 = tpu.vector_load %arg10[%get3A_105] {strides = array<i32>} : memref<2848xf32, #tpu.memory_space<vmem>>, vector<16xf32>,
      %add3A_107 = arith.constant 1360 : i32
      %add3A_108 = arith.addi %mul3A_20, %add3A_107 : i32
      %get3A_109 = arith.index_cast %add3A_108 : i32 to index
      %get3A_110 = tpu.vector_load %arg10[%get3A_109] {strides = array<i32>} : memref<2848xf32, #tpu.memory_space<vmem>>, vector<16xf32>,
      %add3A_111 = arith.constant 1376 : i32
      %add3A_112 = arith.addi %mul3A_20, %add3A_111 : i32
      %get3A_113 = arith.index_cast %add3A_112 : i32 to index
      %get3A_114 = tpu.vector_load %arg10[%get3A_113] {strides = array<i32>} : memref<2848xf32, #tpu.memory_space<vmem>>, vector<16xf32>,
      %add3A_115 = arith.constant 1392 : i32
      %add3A_116 = arith.addi %mul3A_20, %add3A_115 : i32
      %get3A_117 = arith.index_cast %add3A_116 : i32 to index
      %get3A_118 = tpu.vector_load %arg10[%get3A_117] {strides = array<i32>} : memref<2848xf32, #tpu.memory_space<vmem>>, vector<16xf32>,
      %add3A_119 = arith.constant 1408 : i32
      %add3A_120 = arith.addi %mul3A_20, %add3A_119 : i32
      %get3A_121 = arith.index_cast %add3A_120 : i32 to index
      %get3A_122 = tpu.vector_load %arg10[%get3A_121] {strides = array<i32>} : memref<2848xf32, #tpu.memory_space<vmem>>, vector<16xf32>,
      %parallel_loop3A_123 = arith.constant 0 : i32
      %parallel_loop3A_124 = arith.constant 64 : i32
      %parallel_loop3A_125 = arith.constant 1 : i32
      scf.for %parallel_loop3A_126 = %parallel_loop3A_123 to %parallel_loop3A_124 step %parallel_loop3A_125  : i32 {
        %parallel_loop3A_127 = arith.constant 16 : i32
        %parallel_loop3A_128 = arith.muli %parallel_loop3A_126, %parallel_loop3A_127 : i32
        %parallel_loop3A_129 = arith.index_cast %parallel_loop3A_128 : i32 to index
        %parallel_loop3A_130 = tpu.vector_load %arg7[%parallel_loop3A_129] {strides = array<i32>} : memref<1024xf32, #tpu.memory_space<vmem>>, vector<16xf32>,
        %parallel_loop3A_131 = arith.index_cast %parallel_loop3A_128 : i32 to index
        %parallel_loop3A_132 = tpu.vector_load %arg8[%parallel_loop3A_131] {strides = array<i32>} : memref<1024xi32, #tpu.memory_space<vmem>>, vector<16xi32>,
        %parallel_loop3A_133 = arith.constant 8 : i32
        %parallel_loop3A_134 = vector.broadcast %parallel_loop3A_133 : i32 to vector<16xi32>
        %parallel_loop3A_135 = arith.muli %parallel_loop3A_132, %parallel_loop3A_134 : vector<16xi32>
        %parallel_loop3A_136 = vector.broadcast %mul3A_18 : i32 to vector<16xi32>
        %parallel_loop3A_137 = arith.addi %parallel_loop3A_135, %parallel_loop3A_136 : vector<16xi32>
        %parallel_loop3A_138 = arith.constant 0 : i32
        %parallel_loop3A_139 = vector.broadcast %parallel_loop3A_138 : i32 to vector<16xi32>
        %parallel_loop3A_140 = arith.addi %parallel_loop3A_137, %parallel_loop3A_139 : vector<16xi32>
        %parallel_loop3A_141 = tpu.vector_load_idx %arg9[%parallel_loop3A_140] : memref<306xf32, #tpu.memory_space<vmem>>[vector<16xi32>], vector<16xf32>,
        %parallel_loop3A_142 = arith.mulf %parallel_loop3A_130, %get3A_26 : vector<16xf32>
        %parallel_loop3A_143 = arith.addf %parallel_loop3A_142, %parallel_loop3A_141 : vector<16xf32>
        %parallel_loop3A_144 = math.exp %parallel_loop3A_143 : vector<16xf32>
        %parallel_loop3A_145 = arith.constant 1.000000e+00 : f32
        %parallel_loop3A_146 = vector.broadcast %parallel_loop3A_145 : f32 to vector<16xf32>
        %parallel_loop3A_147 = arith.addf %parallel_loop3A_144, %parallel_loop3A_146 : vector<16xf32>
        %parallel_loop3A_148 = arith.constant 1.000000e+00 : f32
        %parallel_loop3A_149 = vector.broadcast %parallel_loop3A_148 : f32 to vector<16xf32>
        %parallel_loop3A_150 = arith.divf %parallel_loop3A_149, %parallel_loop3A_147 : vector<16xf32>
        %parallel_loop3A_151 = arith.constant 1 : i32
        %parallel_loop3A_152 = vector.broadcast %parallel_loop3A_151 : i32 to vector<16xi32>
        %parallel_loop3A_153 = arith.addi %parallel_loop3A_137, %parallel_loop3A_152 : vector<16xi32>
        %parallel_loop3A_154 = tpu.vector_load_idx %arg9[%parallel_loop3A_153] : memref<306xf32, #tpu.memory_space<vmem>>[vector<16xi32>], vector<16xf32>,
        %parallel_loop3A_155 = arith.mulf %parallel_loop3A_130, %get3A_30 : vector<16xf32>
        %parallel_loop3A_156 = arith.addf %parallel_loop3A_155, %parallel_loop3A_154 : vector<16xf32>
        %parallel_loop3A_157 = math.exp %parallel_loop3A_156 : vector<16xf32>
        %parallel_loop3A_158 = arith.constant 1.000000e+00 : f32
        %parallel_loop3A_159 = vector.broadcast %parallel_loop3A_158 : f32 to vector<16xf32>
        %parallel_loop3A_160 = arith.addf %parallel_loop3A_157, %parallel_loop3A_159 : vector<16xf32>
        %parallel_loop3A_161 = arith.constant 1.000000e+00 : f32
        %parallel_loop3A_162 = vector.broadcast %parallel_loop3A_161 : f32 to vector<16xf32>
        %parallel_loop3A_163 = arith.divf %parallel_loop3A_162, %parallel_loop3A_160 : vector<16xf32>
        %parallel_loop3A_164 = arith.constant 2 : i32
        %parallel_loop3A_165 = vector.broadcast %parallel_loop3A_164 : i32 to vector<16xi32>
        %parallel_loop3A_166 = arith.addi %parallel_loop3A_137, %parallel_loop3A_165 : vector<16xi32>
        %parallel_loop3A_167 = tpu.vector_load_idx %arg9[%parallel_loop3A_166] : memref<306xf32, #tpu.memory_space<vmem>>[vector<16xi32>], vector<16xf32>,
        %parallel_loop3A_168 = arith.mulf %parallel_loop3A_130, %get3A_34 : vector<16xf32>
        %parallel_loop3A_169 = arith.addf %parallel_loop3A_168, %parallel_loop3A_167 : vector<16xf32>
        %parallel_loop3A_170 = math.exp %parallel_loop3A_169 : vector<16xf32>
        %parallel_loop3A_171 = arith.constant 1.000000e+00 : f32
        %parallel_loop3A_172 = vector.broadcast %parallel_loop3A_171 : f32 to vector<16xf32>
        %parallel_loop3A_173 = arith.addf %parallel_loop3A_170, %parallel_loop3A_172 : vector<16xf32>
        %parallel_loop3A_174 = arith.constant 1.000000e+00 : f32
        %parallel_loop3A_175 = vector.broadcast %parallel_loop3A_174 : f32 to vector<16xf32>
        %parallel_loop3A_176 = arith.divf %parallel_loop3A_175, %parallel_loop3A_173 : vector<16xf32>
        %parallel_loop3A_177 = arith.constant 3 : i32
        %parallel_loop3A_178 = vector.broadcast %parallel_loop3A_177 : i32 to vector<16xi32>
        %parallel_loop3A_179 = arith.addi %parallel_loop3A_137, %parallel_loop3A_178 : vector<16xi32>
        %parallel_loop3A_180 = tpu.vector_load_idx %arg9[%parallel_loop3A_179] : memref<306xf32, #tpu.memory_space<vmem>>[vector<16xi32>], vector<16xf32>,
        %parallel_loop3A_181 = arith.mulf %parallel_loop3A_130, %get3A_38 : vector<16xf32>
        %parallel_loop3A_182 = arith.addf %parallel_loop3A_181, %parallel_loop3A_180 : vector<16xf32>
        %parallel_loop3A_183 = math.exp %parallel_loop3A_182 : vector<16xf32>
        %parallel_loop3A_184 = arith.constant 1.000000e+00 : f32
        %parallel_loop3A_185 = vector.broadcast %parallel_loop3A_184 : f32 to vector<16xf32>
        %parallel_loop3A_186 = arith.addf %parallel_loop3A_183, %parallel_loop3A_185 : vector<16xf32>
        %parallel_loop3A_187 = arith.constant 1.000000e+00 : f32
        %parallel_loop3A_188 = vector.broadcast %parallel_loop3A_187 : f32 to vector<16xf32>
        %parallel_loop3A_189 = arith.divf %parallel_loop3A_188, %parallel_loop3A_186 : vector<16xf32>
        %parallel_loop3A_190 = arith.constant 4 : i32
        %parallel_loop3A_191 = vector.broadcast %parallel_loop3A_190 : i32 to vector<16xi32>
        %parallel_loop3A_192 = arith.addi %parallel_loop3A_137, %parallel_loop3A_191 : vector<16xi32>
        %parallel_loop3A_193 = tpu.vector_load_idx %arg9[%parallel_loop3A_192] : memref<306xf32, #tpu.memory_space<vmem>>[vector<16xi32>], vector<16xf32>,
        %parallel_loop3A_194 = arith.mulf %parallel_loop3A_130, %get3A_42 : vector<16xf32>
        %parallel_loop3A_195 = arith.addf %parallel_loop3A_194, %parallel_loop3A_193 : vector<16xf32>
        %parallel_loop3A_196 = math.exp %parallel_loop3A_195 : vector<16xf32>
        %parallel_loop3A_197 = arith.constant 1.000000e+00 : f32
        %parallel_loop3A_198 = vector.broadcast %parallel_loop3A_197 : f32 to vector<16xf32>
        %parallel_loop3A_199 = arith.addf %parallel_loop3A_196, %parallel_loop3A_198 : vector<16xf32>
        %parallel_loop3A_200 = arith.constant 1.000000e+00 : f32
        %parallel_loop3A_201 = vector.broadcast %parallel_loop3A_200 : f32 to vector<16xf32>
        %parallel_loop3A_202 = arith.divf %parallel_loop3A_201, %parallel_loop3A_199 : vector<16xf32>
        %parallel_loop3A_203 = arith.constant 5 : i32
        %parallel_loop3A_204 = vector.broadcast %parallel_loop3A_203 : i32 to vector<16xi32>
        %parallel_loop3A_205 = arith.addi %parallel_loop3A_137, %parallel_loop3A_204 : vector<16xi32>
        %parallel_loop3A_206 = tpu.vector_load_idx %arg9[%parallel_loop3A_205] : memref<306xf32, #tpu.memory_space<vmem>>[vector<16xi32>], vector<16xf32>,
        %parallel_loop3A_207 = arith.mulf %parallel_loop3A_130, %get3A_46 : vector<16xf32>
        %parallel_loop3A_208 = arith.addf %parallel_loop3A_207, %parallel_loop3A_206 : vector<16xf32>
        %parallel_loop3A_209 = math.exp %parallel_loop3A_208 : vector<16xf32>
        %parallel_loop3A_210 = arith.constant 1.000000e+00 : f32
        %parallel_loop3A_211 = vector.broadcast %parallel_loop3A_210 : f32 to vector<16xf32>
        %parallel_loop3A_212 = arith.addf %parallel_loop3A_209, %parallel_loop3A_211 : vector<16xf32>
        %parallel_loop3A_213 = arith.constant 1.000000e+00 : f32
        %parallel_loop3A_214 = vector.broadcast %parallel_loop3A_213 : f32 to vector<16xf32>
        %parallel_loop3A_215 = arith.divf %parallel_loop3A_214, %parallel_loop3A_212 : vector<16xf32>
        %parallel_loop3A_216 = arith.constant 6 : i32
        %parallel_loop3A_217 = vector.broadcast %parallel_loop3A_216 : i32 to vector<16xi32>
        %parallel_loop3A_218 = arith.addi %parallel_loop3A_137, %parallel_loop3A_217 : vector<16xi32>
        %parallel_loop3A_219 = tpu.vector_load_idx %arg9[%parallel_loop3A_218] : memref<306xf32, #tpu.memory_space<vmem>>[vector<16xi32>], vector<16xf32>,
        %parallel_loop3A_220 = arith.mulf %parallel_loop3A_130, %get3A_50 : vector<16xf32>
        %parallel_loop3A_221 = arith.addf %parallel_loop3A_220, %parallel_loop3A_219 : vector<16xf32>
        %parallel_loop3A_222 = math.exp %parallel_loop3A_221 : vector<16xf32>
        %parallel_loop3A_223 = arith.constant 1.000000e+00 : f32
        %parallel_loop3A_224 = vector.broadcast %parallel_loop3A_223 : f32 to vector<16xf32>
        %parallel_loop3A_225 = arith.addf %parallel_loop3A_222, %parallel_loop3A_224 : vector<16xf32>
        %parallel_loop3A_226 = arith.constant 1.000000e+00 : f32
        %parallel_loop3A_227 = vector.broadcast %parallel_loop3A_226 : f32 to vector<16xf32>
        %parallel_loop3A_228 = arith.divf %parallel_loop3A_227, %parallel_loop3A_225 : vector<16xf32>
        %parallel_loop3A_229 = arith.constant 7 : i32
        %parallel_loop3A_230 = vector.broadcast %parallel_loop3A_229 : i32 to vector<16xi32>
        %parallel_loop3A_231 = arith.addi %parallel_loop3A_137, %parallel_loop3A_230 : vector<16xi32>
        %parallel_loop3A_232 = tpu.vector_load_idx %arg9[%parallel_loop3A_231] : memref<306xf32, #tpu.memory_space<vmem>>[vector<16xi32>], vector<16xf32>,
        %parallel_loop3A_233 = arith.mulf %parallel_loop3A_130, %get3A_54 : vector<16xf32>
        %parallel_loop3A_234 = arith.addf %parallel_loop3A_233, %parallel_loop3A_232 : vector<16xf32>
        %parallel_loop3A_235 = math.exp %parallel_loop3A_234 : vector<16xf32>
        %parallel_loop3A_236 = arith.constant 1.000000e+00 : f32
        %parallel_loop3A_237 = vector.broadcast %parallel_loop3A_236 : f32 to vector<16xf32>
        %parallel_loop3A_238 = arith.addf %parallel_loop3A_235, %parallel_loop3A_237 : vector<16xf32>
        %parallel_loop3A_239 = arith.constant 1.000000e+00 : f32
        %parallel_loop3A_240 = vector.broadcast %parallel_loop3A_239 : f32 to vector<16xf32>
        %parallel_loop3A_241 = arith.divf %parallel_loop3A_240, %parallel_loop3A_238 : vector<16xf32>
        %parallel_loop3A_242 = arith.constant 128 : i32
        %parallel_loop3A_243 = arith.addi %mul3A_20, %parallel_loop3A_242 : i32
        %parallel_loop3A_244 = arith.index_cast %parallel_loop3A_243 : i32 to index
        %parallel_loop3A_245 = tpu.vector_load %arg10[%parallel_loop3A_244] {strides = array<i32>} : memref<2848xf32, #tpu.memory_space<vmem>>, vector<16xf32>,
        %parallel_loop3A_246 = arith.mulf %parallel_loop3A_245, %parallel_loop3A_150 : vector<16xf32>
        %parallel_loop3A_247 = arith.addf %get3A_58, %parallel_loop3A_246 : vector<16xf32>
        %parallel_loop3A_248 = arith.constant 144 : i32
        %parallel_loop3A_249 = arith.addi %mul3A_20, %parallel_loop3A_248 : i32
        %parallel_loop3A_250 = arith.index_cast %parallel_loop3A_249 : i32 to index
        %parallel_loop3A_251 = tpu.vector_load %arg10[%parallel_loop3A_250] {strides = array<i32>} : memref<2848xf32, #tpu.memory_space<vmem>>, vector<16xf32>,
        %parallel_loop3A_252 = arith.mulf %parallel_loop3A_251, %parallel_loop3A_163 : vector<16xf32>
        %parallel_loop3A_253 = arith.addf %parallel_loop3A_247, %parallel_loop3A_252 : vector<16xf32>
        %parallel_loop3A_254 = arith.constant 160 : i32
        %parallel_loop3A_255 = arith.addi %mul3A_20, %parallel_loop3A_254 : i32
        %parallel_loop3A_256 = arith.index_cast %parallel_loop3A_255 : i32 to index
        %parallel_loop3A_257 = tpu.vector_load %arg10[%parallel_loop3A_256] {strides = array<i32>} : memref<2848xf32, #tpu.memory_space<vmem>>, vector<16xf32>,
        %parallel_loop3A_258 = arith.mulf %parallel_loop3A_257, %parallel_loop3A_176 : vector<16xf32>
        %parallel_loop3A_259 = arith.addf %parallel_loop3A_253, %parallel_loop3A_258 : vector<16xf32>
        %parallel_loop3A_260 = arith.constant 176 : i32
        %parallel_loop3A_261 = arith.addi %mul3A_20, %parallel_loop3A_260 : i32
        %parallel_loop3A_262 = arith.index_cast %parallel_loop3A_261 : i32 to index
        %parallel_loop3A_263 = tpu.vector_load %arg10[%parallel_loop3A_262] {strides = array<i32>} : memref<2848xf32, #tpu.memory_space<vmem>>, vector<16xf32>,
        %parallel_loop3A_264 = arith.mulf %parallel_loop3A_263, %parallel_loop3A_189 : vector<16xf32>
        %parallel_loop3A_265 = arith.addf %parallel_loop3A_259, %parallel_loop3A_264 : vector<16xf32>
        %parallel_loop3A_266 = arith.constant 192 : i32
        %parallel_loop3A_267 = arith.addi %mul3A_20, %parallel_loop3A_266 : i32
        %parallel_loop3A_268 = arith.index_cast %parallel_loop3A_267 : i32 to index
        %parallel_loop3A_269 = tpu.vector_load %arg10[%parallel_loop3A_268] {strides = array<i32>} : memref<2848xf32, #tpu.memory_space<vmem>>, vector<16xf32>,
        %parallel_loop3A_270 = arith.mulf %parallel_loop3A_269, %parallel_loop3A_202 : vector<16xf32>
        %parallel_loop3A_271 = arith.addf %parallel_loop3A_265, %parallel_loop3A_270 : vector<16xf32>
        %parallel_loop3A_272 = arith.constant 208 : i32
        %parallel_loop3A_273 = arith.addi %mul3A_20, %parallel_loop3A_272 : i32
        %parallel_loop3A_274 = arith.index_cast %parallel_loop3A_273 : i32 to index
        %parallel_loop3A_275 = tpu.vector_load %arg10[%parallel_loop3A_274] {strides = array<i32>} : memref<2848xf32, #tpu.memory_space<vmem>>, vector<16xf32>,
        %parallel_loop3A_276 = arith.mulf %parallel_loop3A_275, %parallel_loop3A_215 : vector<16xf32>
        %parallel_loop3A_277 = arith.addf %parallel_loop3A_271, %parallel_loop3A_276 : vector<16xf32>
        %parallel_loop3A_278 = arith.constant 224 : i32
        %parallel_loop3A_279 = arith.addi %mul3A_20, %parallel_loop3A_278 : i32
        %parallel_loop3A_280 = arith.index_cast %parallel_loop3A_279 : i32 to index
        %parallel_loop3A_281 = tpu.vector_load %arg10[%parallel_loop3A_280] {strides = array<i32>} : memref<2848xf32, #tpu.memory_space<vmem>>, vector<16xf32>,
        %parallel_loop3A_282 = arith.mulf %parallel_loop3A_281, %parallel_loop3A_228 : vector<16xf32>
        %parallel_loop3A_283 = arith.addf %parallel_loop3A_277, %parallel_loop3A_282 : vector<16xf32>
        %parallel_loop3A_284 = arith.constant 240 : i32
        %parallel_loop3A_285 = arith.addi %mul3A_20, %parallel_loop3A_284 : i32
        %parallel_loop3A_286 = arith.index_cast %parallel_loop3A_285 : i32 to index
        %parallel_loop3A_287 = tpu.vector_load %arg10[%parallel_loop3A_286] {strides = array<i32>} : memref<2848xf32, #tpu.memory_space<vmem>>, vector<16xf32>,
        %parallel_loop3A_288 = arith.mulf %parallel_loop3A_287, %parallel_loop3A_241 : vector<16xf32>
        %parallel_loop3A_289 = arith.addf %parallel_loop3A_283, %parallel_loop3A_288 : vector<16xf32>
        %parallel_loop3A_290 = math.exp %parallel_loop3A_289 : vector<16xf32>
        %parallel_loop3A_291 = arith.constant 1.000000e+00 : f32
        %parallel_loop3A_292 = vector.broadcast %parallel_loop3A_291 : f32 to vector<16xf32>
        %parallel_loop3A_293 = arith.addf %parallel_loop3A_290, %parallel_loop3A_292 : vector<16xf32>
        %parallel_loop3A_294 = arith.constant 1.000000e+00 : f32
        %parallel_loop3A_295 = vector.broadcast %parallel_loop3A_294 : f32 to vector<16xf32>
        %parallel_loop3A_296 = arith.divf %parallel_loop3A_295, %parallel_loop3A_293 : vector<16xf32>
        %parallel_loop3A_297 = arith.mulf %get3A_90, %parallel_loop3A_296 : vector<16xf32>
        %parallel_loop3A_298 = arith.addf %get3A_122, %parallel_loop3A_297 : vector<16xf32>
        %parallel_loop3A_299 = arith.constant 256 : i32
        %parallel_loop3A_300 = arith.addi %mul3A_20, %parallel_loop3A_299 : i32
        %parallel_loop3A_301 = arith.index_cast %parallel_loop3A_300 : i32 to index
        %parallel_loop3A_302 = tpu.vector_load %arg10[%parallel_loop3A_301] {strides = array<i32>} : memref<2848xf32, #tpu.memory_space<vmem>>, vector<16xf32>,
        %parallel_loop3A_303 = arith.mulf %parallel_loop3A_302, %parallel_loop3A_150 : vector<16xf32>
        %parallel_loop3A_304 = arith.addf %get3A_62, %parallel_loop3A_303 : vector<16xf32>
        %parallel_loop3A_305 = arith.constant 272 : i32
        %parallel_loop3A_306 = arith.addi %mul3A_20, %parallel_loop3A_305 : i32
        %parallel_loop3A_307 = arith.index_cast %parallel_loop3A_306 : i32 to index
        %parallel_loop3A_308 = tpu.vector_load %arg10[%parallel_loop3A_307] {strides = array<i32>} : memref<2848xf32, #tpu.memory_space<vmem>>, vector<16xf32>,
        %parallel_loop3A_309 = arith.mulf %parallel_loop3A_308, %parallel_loop3A_163 : vector<16xf32>
        %parallel_loop3A_310 = arith.addf %parallel_loop3A_304, %parallel_loop3A_309 : vector<16xf32>
        %parallel_loop3A_311 = arith.constant 288 : i32
        %parallel_loop3A_312 = arith.addi %mul3A_20, %parallel_loop3A_311 : i32
        %parallel_loop3A_313 = arith.index_cast %parallel_loop3A_312 : i32 to index
        %parallel_loop3A_314 = tpu.vector_load %arg10[%parallel_loop3A_313] {strides = array<i32>} : memref<2848xf32, #tpu.memory_space<vmem>>, vector<16xf32>,
        %parallel_loop3A_315 = arith.mulf %parallel_loop3A_314, %parallel_loop3A_176 : vector<16xf32>
        %parallel_loop3A_316 = arith.addf %parallel_loop3A_310, %parallel_loop3A_315 : vector<16xf32>
        %parallel_loop3A_317 = arith.constant 304 : i32
        %parallel_loop3A_318 = arith.addi %mul3A_20, %parallel_loop3A_317 : i32
        %parallel_loop3A_319 = arith.index_cast %parallel_loop3A_318 : i32 to index
        %parallel_loop3A_320 = tpu.vector_load %arg10[%parallel_loop3A_319] {strides = array<i32>} : memref<2848xf32, #tpu.memory_space<vmem>>, vector<16xf32>,
        %parallel_loop3A_321 = arith.mulf %parallel_loop3A_320, %parallel_loop3A_189 : vector<16xf32>
        %parallel_loop3A_322 = arith.addf %parallel_loop3A_316, %parallel_loop3A_321 : vector<16xf32>
        %parallel_loop3A_323 = arith.constant 320 : i32
        %parallel_loop3A_324 = arith.addi %mul3A_20, %parallel_loop3A_323 : i32
        %parallel_loop3A_325 = arith.index_cast %parallel_loop3A_324 : i32 to index
        %parallel_loop3A_326 = tpu.vector_load %arg10[%parallel_loop3A_325] {strides = array<i32>} : memref<2848xf32, #tpu.memory_space<vmem>>, vector<16xf32>,
        %parallel_loop3A_327 = arith.mulf %parallel_loop3A_326, %parallel_loop3A_202 : vector<16xf32>
        %parallel_loop3A_328 = arith.addf %parallel_loop3A_322, %parallel_loop3A_327 : vector<16xf32>
        %parallel_loop3A_329 = arith.constant 336 : i32
        %parallel_loop3A_330 = arith.addi %mul3A_20, %parallel_loop3A_329 : i32
        %parallel_loop3A_331 = arith.index_cast %parallel_loop3A_330 : i32 to index
        %parallel_loop3A_332 = tpu.vector_load %arg10[%parallel_loop3A_331] {strides = array<i32>} : memref<2848xf32, #tpu.memory_space<vmem>>, vector<16xf32>,
        %parallel_loop3A_333 = arith.mulf %parallel_loop3A_332, %parallel_loop3A_215 : vector<16xf32>
        %parallel_loop3A_334 = arith.addf %parallel_loop3A_328, %parallel_loop3A_333 : vector<16xf32>
        %parallel_loop3A_335 = arith.constant 352 : i32
        %parallel_loop3A_336 = arith.addi %mul3A_20, %parallel_loop3A_335 : i32
        %parallel_loop3A_337 = arith.index_cast %parallel_loop3A_336 : i32 to index
        %parallel_loop3A_338 = tpu.vector_load %arg10[%parallel_loop3A_337] {strides = array<i32>} : memref<2848xf32, #tpu.memory_space<vmem>>, vector<16xf32>,
        %parallel_loop3A_339 = arith.mulf %parallel_loop3A_338, %parallel_loop3A_228 : vector<16xf32>
        %parallel_loop3A_340 = arith.addf %parallel_loop3A_334, %parallel_loop3A_339 : vector<16xf32>
        %parallel_loop3A_341 = arith.constant 368 : i32
        %parallel_loop3A_342 = arith.addi %mul3A_20, %parallel_loop3A_341 : i32
        %parallel_loop3A_343 = arith.index_cast %parallel_loop3A_342 : i32 to index
        %parallel_loop3A_344 = tpu.vector_load %arg10[%parallel_loop3A_343] {strides = array<i32>} : memref<2848xf32, #tpu.memory_space<vmem>>, vector<16xf32>,
        %parallel_loop3A_345 = arith.mulf %parallel_loop3A_344, %parallel_loop3A_241 : vector<16xf32>
        %parallel_loop3A_346 = arith.addf %parallel_loop3A_340, %parallel_loop3A_345 : vector<16xf32>
        %parallel_loop3A_347 = math.exp %parallel_loop3A_346 : vector<16xf32>
        %parallel_loop3A_348 = arith.constant 1.000000e+00 : f32
        %parallel_loop3A_349 = vector.broadcast %parallel_loop3A_348 : f32 to vector<16xf32>
        %parallel_loop3A_350 = arith.addf %parallel_loop3A_347, %parallel_loop3A_349 : vector<16xf32>
        %parallel_loop3A_351 = arith.constant 1.000000e+00 : f32
        %parallel_loop3A_352 = vector.broadcast %parallel_loop3A_351 : f32 to vector<16xf32>
        %parallel_loop3A_353 = arith.divf %parallel_loop3A_352, %parallel_loop3A_350 : vector<16xf32>
        %parallel_loop3A_354 = arith.mulf %get3A_94, %parallel_loop3A_353 : vector<16xf32>
        %parallel_loop3A_355 = arith.addf %parallel_loop3A_298, %parallel_loop3A_354 : vector<16xf32>
        %parallel_loop3A_356 = arith.constant 384 : i32
        %parallel_loop3A_357 = arith.addi %mul3A_20, %parallel_loop3A_356 : i32
        %parallel_loop3A_358 = arith.index_cast %parallel_loop3A_357 : i32 to index
        %parallel_loop3A_359 = tpu.vector_load %arg10[%parallel_loop3A_358] {strides = array<i32>} : memref<2848xf32, #tpu.memory_space<vmem>>, vector<16xf32>,
        %parallel_loop3A_360 = arith.mulf %parallel_loop3A_359, %parallel_loop3A_150 : vector<16xf32>
        %parallel_loop3A_361 = arith.addf %get3A_66, %parallel_loop3A_360 : vector<16xf32>
        %parallel_loop3A_362 = arith.constant 400 : i32
        %parallel_loop3A_363 = arith.addi %mul3A_20, %parallel_loop3A_362 : i32
        %parallel_loop3A_364 = arith.index_cast %parallel_loop3A_363 : i32 to index
        %parallel_loop3A_365 = tpu.vector_load %arg10[%parallel_loop3A_364] {strides = array<i32>} : memref<2848xf32, #tpu.memory_space<vmem>>, vector<16xf32>,
        %parallel_loop3A_366 = arith.mulf %parallel_loop3A_365, %parallel_loop3A_163 : vector<16xf32>
        %parallel_loop3A_367 = arith.addf %parallel_loop3A_361, %parallel_loop3A_366 : vector<16xf32>
        %parallel_loop3A_368 = arith.constant 416 : i32
        %parallel_loop3A_369 = arith.addi %mul3A_20, %parallel_loop3A_368 : i32
        %parallel_loop3A_370 = arith.index_cast %parallel_loop3A_369 : i32 to index
        %parallel_loop3A_371 = tpu.vector_load %arg10[%parallel_loop3A_370] {strides = array<i32>} : memref<2848xf32, #tpu.memory_space<vmem>>, vector<16xf32>,
        %parallel_loop3A_372 = arith.mulf %parallel_loop3A_371, %parallel_loop3A_176 : vector<16xf32>
        %parallel_loop3A_373 = arith.addf %parallel_loop3A_367, %parallel_loop3A_372 : vector<16xf32>
        %parallel_loop3A_374 = arith.constant 432 : i32
        %parallel_loop3A_375 = arith.addi %mul3A_20, %parallel_loop3A_374 : i32
        %parallel_loop3A_376 = arith.index_cast %parallel_loop3A_375 : i32 to index
        %parallel_loop3A_377 = tpu.vector_load %arg10[%parallel_loop3A_376] {strides = array<i32>} : memref<2848xf32, #tpu.memory_space<vmem>>, vector<16xf32>,
        %parallel_loop3A_378 = arith.mulf %parallel_loop3A_377, %parallel_loop3A_189 : vector<16xf32>
        %parallel_loop3A_379 = arith.addf %parallel_loop3A_373, %parallel_loop3A_378 : vector<16xf32>
        %parallel_loop3A_380 = arith.constant 448 : i32
        %parallel_loop3A_381 = arith.addi %mul3A_20, %parallel_loop3A_380 : i32
        %parallel_loop3A_382 = arith.index_cast %parallel_loop3A_381 : i32 to index
        %parallel_loop3A_383 = tpu.vector_load %arg10[%parallel_loop3A_382] {strides = array<i32>} : memref<2848xf32, #tpu.memory_space<vmem>>, vector<16xf32>,
        %parallel_loop3A_384 = arith.mulf %parallel_loop3A_383, %parallel_loop3A_202 : vector<16xf32>
        %parallel_loop3A_385 = arith.addf %parallel_loop3A_379, %parallel_loop3A_384 : vector<16xf32>
        %parallel_loop3A_386 = arith.constant 464 : i32
        %parallel_loop3A_387 = arith.addi %mul3A_20, %parallel_loop3A_386 : i32
        %parallel_loop3A_388 = arith.index_cast %parallel_loop3A_387 : i32 to index
        %parallel_loop3A_389 = tpu.vector_load %arg10[%parallel_loop3A_388] {strides = array<i32>} : memref<2848xf32, #tpu.memory_space<vmem>>, vector<16xf32>,
        %parallel_loop3A_390 = arith.mulf %parallel_loop3A_389, %parallel_loop3A_215 : vector<16xf32>
        %parallel_loop3A_391 = arith.addf %parallel_loop3A_385, %parallel_loop3A_390 : vector<16xf32>
        %parallel_loop3A_392 = arith.constant 480 : i32
        %parallel_loop3A_393 = arith.addi %mul3A_20, %parallel_loop3A_392 : i32
        %parallel_loop3A_394 = arith.index_cast %parallel_loop3A_393 : i32 to index
        %parallel_loop3A_395 = tpu.vector_load %arg10[%parallel_loop3A_394] {strides = array<i32>} : memref<2848xf32, #tpu.memory_space<vmem>>, vector<16xf32>,
        %parallel_loop3A_396 = arith.mulf %parallel_loop3A_395, %parallel_loop3A_228 : vector<16xf32>
        %parallel_loop3A_397 = arith.addf %parallel_loop3A_391, %parallel_loop3A_396 : vector<16xf32>
        %parallel_loop3A_398 = arith.constant 496 : i32
        %parallel_loop3A_399 = arith.addi %mul3A_20, %parallel_loop3A_398 : i32
        %parallel_loop3A_400 = arith.index_cast %parallel_loop3A_399 : i32 to index
        %parallel_loop3A_401 = tpu.vector_load %arg10[%parallel_loop3A_400] {strides = array<i32>} : memref<2848xf32, #tpu.memory_space<vmem>>, vector<16xf32>,
        %parallel_loop3A_402 = arith.mulf %parallel_loop3A_401, %parallel_loop3A_241 : vector<16xf32>
        %parallel_loop3A_403 = arith.addf %parallel_loop3A_397, %parallel_loop3A_402 : vector<16xf32>
        %parallel_loop3A_404 = math.exp %parallel_loop3A_403 : vector<16xf32>
        %parallel_loop3A_405 = arith.constant 1.000000e+00 : f32
        %parallel_loop3A_406 = vector.broadcast %parallel_loop3A_405 : f32 to vector<16xf32>
        %parallel_loop3A_407 = arith.addf %parallel_loop3A_404, %parallel_loop3A_406 : vector<16xf32>
        %parallel_loop3A_408 = arith.constant 1.000000e+00 : f32
        %parallel_loop3A_409 = vector.broadcast %parallel_loop3A_408 : f32 to vector<16xf32>
        %parallel_loop3A_410 = arith.divf %parallel_loop3A_409, %parallel_loop3A_407 : vector<16xf32>
        %parallel_loop3A_411 = arith.mulf %get3A_98, %parallel_loop3A_410 : vector<16xf32>
        %parallel_loop3A_412 = arith.addf %parallel_loop3A_355, %parallel_loop3A_411 : vector<16xf32>
        %parallel_loop3A_413 = arith.constant 512 : i32
        %parallel_loop3A_414 = arith.addi %mul3A_20, %parallel_loop3A_413 : i32
        %parallel_loop3A_415 = arith.index_cast %parallel_loop3A_414 : i32 to index
        %parallel_loop3A_416 = tpu.vector_load %arg10[%parallel_loop3A_415] {strides = array<i32>} : memref<2848xf32, #tpu.memory_space<vmem>>, vector<16xf32>,
        %parallel_loop3A_417 = arith.mulf %parallel_loop3A_416, %parallel_loop3A_150 : vector<16xf32>
        %parallel_loop3A_418 = arith.addf %get3A_70, %parallel_loop3A_417 : vector<16xf32>
        %parallel_loop3A_419 = arith.constant 528 : i32
        %parallel_loop3A_420 = arith.addi %mul3A_20, %parallel_loop3A_419 : i32
        %parallel_loop3A_421 = arith.index_cast %parallel_loop3A_420 : i32 to index
        %parallel_loop3A_422 = tpu.vector_load %arg10[%parallel_loop3A_421] {strides = array<i32>} : memref<2848xf32, #tpu.memory_space<vmem>>, vector<16xf32>,
        %parallel_loop3A_423 = arith.mulf %parallel_loop3A_422, %parallel_loop3A_163 : vector<16xf32>
        %parallel_loop3A_424 = arith.addf %parallel_loop3A_418, %parallel_loop3A_423 : vector<16xf32>
        %parallel_loop3A_425 = arith.constant 544 : i32
        %parallel_loop3A_426 = arith.addi %mul3A_20, %parallel_loop3A_425 : i32
        %parallel_loop3A_427 = arith.index_cast %parallel_loop3A_426 : i32 to index
        %parallel_loop3A_428 = tpu.vector_load %arg10[%parallel_loop3A_427] {strides = array<i32>} : memref<2848xf32, #tpu.memory_space<vmem>>, vector<16xf32>,
        %parallel_loop3A_429 = arith.mulf %parallel_loop3A_428, %parallel_loop3A_176 : vector<16xf32>
        %parallel_loop3A_430 = arith.addf %parallel_loop3A_424, %parallel_loop3A_429 : vector<16xf32>
        %parallel_loop3A_431 = arith.constant 560 : i32
        %parallel_loop3A_432 = arith.addi %mul3A_20, %parallel_loop3A_431 : i32
        %parallel_loop3A_433 = arith.index_cast %parallel_loop3A_432 : i32 to index
        %parallel_loop3A_434 = tpu.vector_load %arg10[%parallel_loop3A_433] {strides = array<i32>} : memref<2848xf32, #tpu.memory_space<vmem>>, vector<16xf32>,
        %parallel_loop3A_435 = arith.mulf %parallel_loop3A_434, %parallel_loop3A_189 : vector<16xf32>
        %parallel_loop3A_436 = arith.addf %parallel_loop3A_430, %parallel_loop3A_435 : vector<16xf32>
        %parallel_loop3A_437 = arith.constant 576 : i32
        %parallel_loop3A_438 = arith.addi %mul3A_20, %parallel_loop3A_437 : i32
        %parallel_loop3A_439 = arith.index_cast %parallel_loop3A_438 : i32 to index
        %parallel_loop3A_440 = tpu.vector_load %arg10[%parallel_loop3A_439] {strides = array<i32>} : memref<2848xf32, #tpu.memory_space<vmem>>, vector<16xf32>,
        %parallel_loop3A_441 = arith.mulf %parallel_loop3A_440, %parallel_loop3A_202 : vector<16xf32>
        %parallel_loop3A_442 = arith.addf %parallel_loop3A_436, %parallel_loop3A_441 : vector<16xf32>
        %parallel_loop3A_443 = arith.constant 592 : i32
        %parallel_loop3A_444 = arith.addi %mul3A_20, %parallel_loop3A_443 : i32
        %parallel_loop3A_445 = arith.index_cast %parallel_loop3A_444 : i32 to index
        %parallel_loop3A_446 = tpu.vector_load %arg10[%parallel_loop3A_445] {strides = array<i32>} : memref<2848xf32, #tpu.memory_space<vmem>>, vector<16xf32>,
        %parallel_loop3A_447 = arith.mulf %parallel_loop3A_446, %parallel_loop3A_215 : vector<16xf32>
        %parallel_loop3A_448 = arith.addf %parallel_loop3A_442, %parallel_loop3A_447 : vector<16xf32>
        %parallel_loop3A_449 = arith.constant 608 : i32
        %parallel_loop3A_450 = arith.addi %mul3A_20, %parallel_loop3A_449 : i32
        %parallel_loop3A_451 = arith.index_cast %parallel_loop3A_450 : i32 to index
        %parallel_loop3A_452 = tpu.vector_load %arg10[%parallel_loop3A_451] {strides = array<i32>} : memref<2848xf32, #tpu.memory_space<vmem>>, vector<16xf32>,
        %parallel_loop3A_453 = arith.mulf %parallel_loop3A_452, %parallel_loop3A_228 : vector<16xf32>
        %parallel_loop3A_454 = arith.addf %parallel_loop3A_448, %parallel_loop3A_453 : vector<16xf32>
        %parallel_loop3A_455 = arith.constant 624 : i32
        %parallel_loop3A_456 = arith.addi %mul3A_20, %parallel_loop3A_455 : i32
        %parallel_loop3A_457 = arith.index_cast %parallel_loop3A_456 : i32 to index
        %parallel_loop3A_458 = tpu.vector_load %arg10[%parallel_loop3A_457] {strides = array<i32>} : memref<2848xf32, #tpu.memory_space<vmem>>, vector<16xf32>,
        %parallel_loop3A_459 = arith.mulf %parallel_loop3A_458, %parallel_loop3A_241 : vector<16xf32>
        %parallel_loop3A_460 = arith.addf %parallel_loop3A_454, %parallel_loop3A_459 : vector<16xf32>
        %parallel_loop3A_461 = math.exp %parallel_loop3A_460 : vector<16xf32>
        %parallel_loop3A_462 = arith.constant 1.000000e+00 : f32
        %parallel_loop3A_463 = vector.broadcast %parallel_loop3A_462 : f32 to vector<16xf32>
        %parallel_loop3A_464 = arith.addf %parallel_loop3A_461, %parallel_loop3A_463 : vector<16xf32>
        %parallel_loop3A_465 = arith.constant 1.000000e+00 : f32
        %parallel_loop3A_466 = vector.broadcast %parallel_loop3A_465 : f32 to vector<16xf32>
        %parallel_loop3A_467 = arith.divf %parallel_loop3A_466, %parallel_loop3A_464 : vector<16xf32>
        %parallel_loop3A_468 = arith.mulf %get3A_102, %parallel_loop3A_467 : vector<16xf32>
        %parallel_loop3A_469 = arith.addf %parallel_loop3A_412, %parallel_loop3A_468 : vector<16xf32>
        %parallel_loop3A_470 = arith.constant 640 : i32
        %parallel_loop3A_471 = arith.addi %mul3A_20, %parallel_loop3A_470 : i32
        %parallel_loop3A_472 = arith.index_cast %parallel_loop3A_471 : i32 to index
        %parallel_loop3A_473 = tpu.vector_load %arg10[%parallel_loop3A_472] {strides = array<i32>} : memref<2848xf32, #tpu.memory_space<vmem>>, vector<16xf32>,
        %parallel_loop3A_474 = arith.mulf %parallel_loop3A_473, %parallel_loop3A_150 : vector<16xf32>
        %parallel_loop3A_475 = arith.addf %get3A_74, %parallel_loop3A_474 : vector<16xf32>
        %parallel_loop3A_476 = arith.constant 656 : i32
        %parallel_loop3A_477 = arith.addi %mul3A_20, %parallel_loop3A_476 : i32
        %parallel_loop3A_478 = arith.index_cast %parallel_loop3A_477 : i32 to index
        %parallel_loop3A_479 = tpu.vector_load %arg10[%parallel_loop3A_478] {strides = array<i32>} : memref<2848xf32, #tpu.memory_space<vmem>>, vector<16xf32>,
        %parallel_loop3A_480 = arith.mulf %parallel_loop3A_479, %parallel_loop3A_163 : vector<16xf32>
        %parallel_loop3A_481 = arith.addf %parallel_loop3A_475, %parallel_loop3A_480 : vector<16xf32>
        %parallel_loop3A_482 = arith.constant 672 : i32
        %parallel_loop3A_483 = arith.addi %mul3A_20, %parallel_loop3A_482 : i32
        %parallel_loop3A_484 = arith.index_cast %parallel_loop3A_483 : i32 to index
        %parallel_loop3A_485 = tpu.vector_load %arg10[%parallel_loop3A_484] {strides = array<i32>} : memref<2848xf32, #tpu.memory_space<vmem>>, vector<16xf32>,
        %parallel_loop3A_486 = arith.mulf %parallel_loop3A_485, %parallel_loop3A_176 : vector<16xf32>
        %parallel_loop3A_487 = arith.addf %parallel_loop3A_481, %parallel_loop3A_486 : vector<16xf32>
        %parallel_loop3A_488 = arith.constant 688 : i32
        %parallel_loop3A_489 = arith.addi %mul3A_20, %parallel_loop3A_488 : i32
        %parallel_loop3A_490 = arith.index_cast %parallel_loop3A_489 : i32 to index
        %parallel_loop3A_491 = tpu.vector_load %arg10[%parallel_loop3A_490] {strides = array<i32>} : memref<2848xf32, #tpu.memory_space<vmem>>, vector<16xf32>,
        %parallel_loop3A_492 = arith.mulf %parallel_loop3A_491, %parallel_loop3A_189 : vector<16xf32>
        %parallel_loop3A_493 = arith.addf %parallel_loop3A_487, %parallel_loop3A_492 : vector<16xf32>
        %parallel_loop3A_494 = arith.constant 704 : i32
        %parallel_loop3A_495 = arith.addi %mul3A_20, %parallel_loop3A_494 : i32
        %parallel_loop3A_496 = arith.index_cast %parallel_loop3A_495 : i32 to index
        %parallel_loop3A_497 = tpu.vector_load %arg10[%parallel_loop3A_496] {strides = array<i32>} : memref<2848xf32, #tpu.memory_space<vmem>>, vector<16xf32>,
        %parallel_loop3A_498 = arith.mulf %parallel_loop3A_497, %parallel_loop3A_202 : vector<16xf32>
        %parallel_loop3A_499 = arith.addf %parallel_loop3A_493, %parallel_loop3A_498 : vector<16xf32>
        %parallel_loop3A_500 = arith.constant 720 : i32
        %parallel_loop3A_501 = arith.addi %mul3A_20, %parallel_loop3A_500 : i32
        %parallel_loop3A_502 = arith.index_cast %parallel_loop3A_501 : i32 to index
        %parallel_loop3A_503 = tpu.vector_load %arg10[%parallel_loop3A_502] {strides = array<i32>} : memref<2848xf32, #tpu.memory_space<vmem>>, vector<16xf32>,
        %parallel_loop3A_504 = arith.mulf %parallel_loop3A_503, %parallel_loop3A_215 : vector<16xf32>
        %parallel_loop3A_505 = arith.addf %parallel_loop3A_499, %parallel_loop3A_504 : vector<16xf32>
        %parallel_loop3A_506 = arith.constant 736 : i32
        %parallel_loop3A_507 = arith.addi %mul3A_20, %parallel_loop3A_506 : i32
        %parallel_loop3A_508 = arith.index_cast %parallel_loop3A_507 : i32 to index
        %parallel_loop3A_509 = tpu.vector_load %arg10[%parallel_loop3A_508] {strides = array<i32>} : memref<2848xf32, #tpu.memory_space<vmem>>, vector<16xf32>,
        %parallel_loop3A_510 = arith.mulf %parallel_loop3A_509, %parallel_loop3A_228 : vector<16xf32>
        %parallel_loop3A_511 = arith.addf %parallel_loop3A_505, %parallel_loop3A_510 : vector<16xf32>
        %parallel_loop3A_512 = arith.constant 752 : i32
        %parallel_loop3A_513 = arith.addi %mul3A_20, %parallel_loop3A_512 : i32
        %parallel_loop3A_514 = arith.index_cast %parallel_loop3A_513 : i32 to index
        %parallel_loop3A_515 = tpu.vector_load %arg10[%parallel_loop3A_514] {strides = array<i32>} : memref<2848xf32, #tpu.memory_space<vmem>>, vector<16xf32>,
        %parallel_loop3A_516 = arith.mulf %parallel_loop3A_515, %parallel_loop3A_241 : vector<16xf32>
        %parallel_loop3A_517 = arith.addf %parallel_loop3A_511, %parallel_loop3A_516 : vector<16xf32>
        %parallel_loop3A_518 = math.exp %parallel_loop3A_517 : vector<16xf32>
        %parallel_loop3A_519 = arith.constant 1.000000e+00 : f32
        %parallel_loop3A_520 = vector.broadcast %parallel_loop3A_519 : f32 to vector<16xf32>
        %parallel_loop3A_521 = arith.addf %parallel_loop3A_518, %parallel_loop3A_520 : vector<16xf32>
        %parallel_loop3A_522 = arith.constant 1.000000e+00 : f32
        %parallel_loop3A_523 = vector.broadcast %parallel_loop3A_522 : f32 to vector<16xf32>
        %parallel_loop3A_524 = arith.divf %parallel_loop3A_523, %parallel_loop3A_521 : vector<16xf32>
        %parallel_loop3A_525 = arith.mulf %get3A_106, %parallel_loop3A_524 : vector<16xf32>
        %parallel_loop3A_526 = arith.addf %parallel_loop3A_469, %parallel_loop3A_525 : vector<16xf32>
        %parallel_loop3A_527 = arith.constant 768 : i32
        %parallel_loop3A_528 = arith.addi %mul3A_20, %parallel_loop3A_527 : i32
        %parallel_loop3A_529 = arith.index_cast %parallel_loop3A_528 : i32 to index
        %parallel_loop3A_530 = tpu.vector_load %arg10[%parallel_loop3A_529] {strides = array<i32>} : memref<2848xf32, #tpu.memory_space<vmem>>, vector<16xf32>,
        %parallel_loop3A_531 = arith.mulf %parallel_loop3A_530, %parallel_loop3A_150 : vector<16xf32>
        %parallel_loop3A_532 = arith.addf %get3A_78, %parallel_loop3A_531 : vector<16xf32>
        %parallel_loop3A_533 = arith.constant 784 : i32
        %parallel_loop3A_534 = arith.addi %mul3A_20, %parallel_loop3A_533 : i32
        %parallel_loop3A_535 = arith.index_cast %parallel_loop3A_534 : i32 to index
        %parallel_loop3A_536 = tpu.vector_load %arg10[%parallel_loop3A_535] {strides = array<i32>} : memref<2848xf32, #tpu.memory_space<vmem>>, vector<16xf32>,
        %parallel_loop3A_537 = arith.mulf %parallel_loop3A_536, %parallel_loop3A_163 : vector<16xf32>
        %parallel_loop3A_538 = arith.addf %parallel_loop3A_532, %parallel_loop3A_537 : vector<16xf32>
        %parallel_loop3A_539 = arith.constant 800 : i32
        %parallel_loop3A_540 = arith.addi %mul3A_20, %parallel_loop3A_539 : i32
        %parallel_loop3A_541 = arith.index_cast %parallel_loop3A_540 : i32 to index
        %parallel_loop3A_542 = tpu.vector_load %arg10[%parallel_loop3A_541] {strides = array<i32>} : memref<2848xf32, #tpu.memory_space<vmem>>, vector<16xf32>,
        %parallel_loop3A_543 = arith.mulf %parallel_loop3A_542, %parallel_loop3A_176 : vector<16xf32>
        %parallel_loop3A_544 = arith.addf %parallel_loop3A_538, %parallel_loop3A_543 : vector<16xf32>
        %parallel_loop3A_545 = arith.constant 816 : i32
        %parallel_loop3A_546 = arith.addi %mul3A_20, %parallel_loop3A_545 : i32
        %parallel_loop3A_547 = arith.index_cast %parallel_loop3A_546 : i32 to index
        %parallel_loop3A_548 = tpu.vector_load %arg10[%parallel_loop3A_547] {strides = array<i32>} : memref<2848xf32, #tpu.memory_space<vmem>>, vector<16xf32>,
        %parallel_loop3A_549 = arith.mulf %parallel_loop3A_548, %parallel_loop3A_189 : vector<16xf32>
        %parallel_loop3A_550 = arith.addf %parallel_loop3A_544, %parallel_loop3A_549 : vector<16xf32>
        %parallel_loop3A_551 = arith.constant 832 : i32
        %parallel_loop3A_552 = arith.addi %mul3A_20, %parallel_loop3A_551 : i32
        %parallel_loop3A_553 = arith.index_cast %parallel_loop3A_552 : i32 to index
        %parallel_loop3A_554 = tpu.vector_load %arg10[%parallel_loop3A_553] {strides = array<i32>} : memref<2848xf32, #tpu.memory_space<vmem>>, vector<16xf32>,
        %parallel_loop3A_555 = arith.mulf %parallel_loop3A_554, %parallel_loop3A_202 : vector<16xf32>
        %parallel_loop3A_556 = arith.addf %parallel_loop3A_550, %parallel_loop3A_555 : vector<16xf32>
        %parallel_loop3A_557 = arith.constant 848 : i32
        %parallel_loop3A_558 = arith.addi %mul3A_20, %parallel_loop3A_557 : i32
        %parallel_loop3A_559 = arith.index_cast %parallel_loop3A_558 : i32 to index
        %parallel_loop3A_560 = tpu.vector_load %arg10[%parallel_loop3A_559] {strides = array<i32>} : memref<2848xf32, #tpu.memory_space<vmem>>, vector<16xf32>,
        %parallel_loop3A_561 = arith.mulf %parallel_loop3A_560, %parallel_loop3A_215 : vector<16xf32>
        %parallel_loop3A_562 = arith.addf %parallel_loop3A_556, %parallel_loop3A_561 : vector<16xf32>
        %parallel_loop3A_563 = arith.constant 864 : i32
        %parallel_loop3A_564 = arith.addi %mul3A_20, %parallel_loop3A_563 : i32
        %parallel_loop3A_565 = arith.index_cast %parallel_loop3A_564 : i32 to index
        %parallel_loop3A_566 = tpu.vector_load %arg10[%parallel_loop3A_565] {strides = array<i32>} : memref<2848xf32, #tpu.memory_space<vmem>>, vector<16xf32>,
        %parallel_loop3A_567 = arith.mulf %parallel_loop3A_566, %parallel_loop3A_228 : vector<16xf32>
        %parallel_loop3A_568 = arith.addf %parallel_loop3A_562, %parallel_loop3A_567 : vector<16xf32>
        %parallel_loop3A_569 = arith.constant 880 : i32
        %parallel_loop3A_570 = arith.addi %mul3A_20, %parallel_loop3A_569 : i32
        %parallel_loop3A_571 = arith.index_cast %parallel_loop3A_570 : i32 to index
        %parallel_loop3A_572 = tpu.vector_load %arg10[%parallel_loop3A_571] {strides = array<i32>} : memref<2848xf32, #tpu.memory_space<vmem>>, vector<16xf32>,
        %parallel_loop3A_573 = arith.mulf %parallel_loop3A_572, %parallel_loop3A_241 : vector<16xf32>
        %parallel_loop3A_574 = arith.addf %parallel_loop3A_568, %parallel_loop3A_573 : vector<16xf32>
        %parallel_loop3A_575 = math.exp %parallel_loop3A_574 : vector<16xf32>
        %parallel_loop3A_576 = arith.constant 1.000000e+00 : f32
        %parallel_loop3A_577 = vector.broadcast %parallel_loop3A_576 : f32 to vector<16xf32>
        %parallel_loop3A_578 = arith.addf %parallel_loop3A_575, %parallel_loop3A_577 : vector<16xf32>
        %parallel_loop3A_579 = arith.constant 1.000000e+00 : f32
        %parallel_loop3A_580 = vector.broadcast %parallel_loop3A_579 : f32 to vector<16xf32>
        %parallel_loop3A_581 = arith.divf %parallel_loop3A_580, %parallel_loop3A_578 : vector<16xf32>
        %parallel_loop3A_582 = arith.mulf %get3A_110, %parallel_loop3A_581 : vector<16xf32>
        %parallel_loop3A_583 = arith.addf %parallel_loop3A_526, %parallel_loop3A_582 : vector<16xf32>
        %parallel_loop3A_584 = arith.constant 896 : i32
        %parallel_loop3A_585 = arith.addi %mul3A_20, %parallel_loop3A_584 : i32
        %parallel_loop3A_586 = arith.index_cast %parallel_loop3A_585 : i32 to index
        %parallel_loop3A_587 = tpu.vector_load %arg10[%parallel_loop3A_586] {strides = array<i32>} : memref<2848xf32, #tpu.memory_space<vmem>>, vector<16xf32>,
        %parallel_loop3A_588 = arith.mulf %parallel_loop3A_587, %parallel_loop3A_150 : vector<16xf32>
        %parallel_loop3A_589 = arith.addf %get3A_82, %parallel_loop3A_588 : vector<16xf32>
        %parallel_loop3A_590 = arith.constant 912 : i32
        %parallel_loop3A_591 = arith.addi %mul3A_20, %parallel_loop3A_590 : i32
        %parallel_loop3A_592 = arith.index_cast %parallel_loop3A_591 : i32 to index
        %parallel_loop3A_593 = tpu.vector_load %arg10[%parallel_loop3A_592] {strides = array<i32>} : memref<2848xf32, #tpu.memory_space<vmem>>, vector<16xf32>,
        %parallel_loop3A_594 = arith.mulf %parallel_loop3A_593, %parallel_loop3A_163 : vector<16xf32>
        %parallel_loop3A_595 = arith.addf %parallel_loop3A_589, %parallel_loop3A_594 : vector<16xf32>
        %parallel_loop3A_596 = arith.constant 928 : i32
        %parallel_loop3A_597 = arith.addi %mul3A_20, %parallel_loop3A_596 : i32
        %parallel_loop3A_598 = arith.index_cast %parallel_loop3A_597 : i32 to index
        %parallel_loop3A_599 = tpu.vector_load %arg10[%parallel_loop3A_598] {strides = array<i32>} : memref<2848xf32, #tpu.memory_space<vmem>>, vector<16xf32>,
        %parallel_loop3A_600 = arith.mulf %parallel_loop3A_599, %parallel_loop3A_176 : vector<16xf32>
        %parallel_loop3A_601 = arith.addf %parallel_loop3A_595, %parallel_loop3A_600 : vector<16xf32>
        %parallel_loop3A_602 = arith.constant 944 : i32
        %parallel_loop3A_603 = arith.addi %mul3A_20, %parallel_loop3A_602 : i32
        %parallel_loop3A_604 = arith.index_cast %parallel_loop3A_603 : i32 to index
        %parallel_loop3A_605 = tpu.vector_load %arg10[%parallel_loop3A_604] {strides = array<i32>} : memref<2848xf32, #tpu.memory_space<vmem>>, vector<16xf32>,
        %parallel_loop3A_606 = arith.mulf %parallel_loop3A_605, %parallel_loop3A_189 : vector<16xf32>
        %parallel_loop3A_607 = arith.addf %parallel_loop3A_601, %parallel_loop3A_606 : vector<16xf32>
        %parallel_loop3A_608 = arith.constant 960 : i32
        %parallel_loop3A_609 = arith.addi %mul3A_20, %parallel_loop3A_608 : i32
        %parallel_loop3A_610 = arith.index_cast %parallel_loop3A_609 : i32 to index
        %parallel_loop3A_611 = tpu.vector_load %arg10[%parallel_loop3A_610] {strides = array<i32>} : memref<2848xf32, #tpu.memory_space<vmem>>, vector<16xf32>,
        %parallel_loop3A_612 = arith.mulf %parallel_loop3A_611, %parallel_loop3A_202 : vector<16xf32>
        %parallel_loop3A_613 = arith.addf %parallel_loop3A_607, %parallel_loop3A_612 : vector<16xf32>
        %parallel_loop3A_614 = arith.constant 976 : i32
        %parallel_loop3A_615 = arith.addi %mul3A_20, %parallel_loop3A_614 : i32
        %parallel_loop3A_616 = arith.index_cast %parallel_loop3A_615 : i32 to index
        %parallel_loop3A_617 = tpu.vector_load %arg10[%parallel_loop3A_616] {strides = array<i32>} : memref<2848xf32, #tpu.memory_space<vmem>>, vector<16xf32>,
        %parallel_loop3A_618 = arith.mulf %parallel_loop3A_617, %parallel_loop3A_215 : vector<16xf32>
        %parallel_loop3A_619 = arith.addf %parallel_loop3A_613, %parallel_loop3A_618 : vector<16xf32>
        %parallel_loop3A_620 = arith.constant 992 : i32
        %parallel_loop3A_621 = arith.addi %mul3A_20, %parallel_loop3A_620 : i32
        %parallel_loop3A_622 = arith.index_cast %parallel_loop3A_621 : i32 to index
        %parallel_loop3A_623 = tpu.vector_load %arg10[%parallel_loop3A_622] {strides = array<i32>} : memref<2848xf32, #tpu.memory_space<vmem>>, vector<16xf32>,
        %parallel_loop3A_624 = arith.mulf %parallel_loop3A_623, %parallel_loop3A_228 : vector<16xf32>
        %parallel_loop3A_625 = arith.addf %parallel_loop3A_619, %parallel_loop3A_624 : vector<16xf32>
        %parallel_loop3A_626 = arith.constant 1008 : i32
        %parallel_loop3A_627 = arith.addi %mul3A_20, %parallel_loop3A_626 : i32
        %parallel_loop3A_628 = arith.index_cast %parallel_loop3A_627 : i32 to index
        %parallel_loop3A_629 = tpu.vector_load %arg10[%parallel_loop3A_628] {strides = array<i32>} : memref<2848xf32, #tpu.memory_space<vmem>>, vector<16xf32>,
        %parallel_loop3A_630 = arith.mulf %parallel_loop3A_629, %parallel_loop3A_241 : vector<16xf32>
        %parallel_loop3A_631 = arith.addf %parallel_loop3A_625, %parallel_loop3A_630 : vector<16xf32>
        %parallel_loop3A_632 = math.exp %parallel_loop3A_631 : vector<16xf32>
        %parallel_loop3A_633 = arith.constant 1.000000e+00 : f32
        %parallel_loop3A_634 = vector.broadcast %parallel_loop3A_633 : f32 to vector<16xf32>
        %parallel_loop3A_635 = arith.addf %parallel_loop3A_632, %parallel_loop3A_634 : vector<16xf32>
        %parallel_loop3A_636 = arith.constant 1.000000e+00 : f32
        %parallel_loop3A_637 = vector.broadcast %parallel_loop3A_636 : f32 to vector<16xf32>
        %parallel_loop3A_638 = arith.divf %parallel_loop3A_637, %parallel_loop3A_635 : vector<16xf32>
        %parallel_loop3A_639 = arith.mulf %get3A_114, %parallel_loop3A_638 : vector<16xf32>
        %parallel_loop3A_640 = arith.addf %parallel_loop3A_583, %parallel_loop3A_639 : vector<16xf32>
        %parallel_loop3A_641 = arith.constant 1024 : i32
        %parallel_loop3A_642 = arith.addi %mul3A_20, %parallel_loop3A_641 : i32
        %parallel_loop3A_643 = arith.index_cast %parallel_loop3A_642 : i32 to index
        %parallel_loop3A_644 = tpu.vector_load %arg10[%parallel_loop3A_643] {strides = array<i32>} : memref<2848xf32, #tpu.memory_space<vmem>>, vector<16xf32>,
        %parallel_loop3A_645 = arith.mulf %parallel_loop3A_644, %parallel_loop3A_150 : vector<16xf32>
        %parallel_loop3A_646 = arith.addf %get3A_86, %parallel_loop3A_645 : vector<16xf32>
        %parallel_loop3A_647 = arith.constant 1040 : i32
        %parallel_loop3A_648 = arith.addi %mul3A_20, %parallel_loop3A_647 : i32
        %parallel_loop3A_649 = arith.index_cast %parallel_loop3A_648 : i32 to index
        %parallel_loop3A_650 = tpu.vector_load %arg10[%parallel_loop3A_649] {strides = array<i32>} : memref<2848xf32, #tpu.memory_space<vmem>>, vector<16xf32>,
        %parallel_loop3A_651 = arith.mulf %parallel_loop3A_650, %parallel_loop3A_163 : vector<16xf32>
        %parallel_loop3A_652 = arith.addf %parallel_loop3A_646, %parallel_loop3A_651 : vector<16xf32>
        %parallel_loop3A_653 = arith.constant 1056 : i32
        %parallel_loop3A_654 = arith.addi %mul3A_20, %parallel_loop3A_653 : i32
        %parallel_loop3A_655 = arith.index_cast %parallel_loop3A_654 : i32 to index
        %parallel_loop3A_656 = tpu.vector_load %arg10[%parallel_loop3A_655] {strides = array<i32>} : memref<2848xf32, #tpu.memory_space<vmem>>, vector<16xf32>,
        %parallel_loop3A_657 = arith.mulf %parallel_loop3A_656, %parallel_loop3A_176 : vector<16xf32>
        %parallel_loop3A_658 = arith.addf %parallel_loop3A_652, %parallel_loop3A_657 : vector<16xf32>
        %parallel_loop3A_659 = arith.constant 1072 : i32
        %parallel_loop3A_660 = arith.addi %mul3A_20, %parallel_loop3A_659 : i32
        %parallel_loop3A_661 = arith.index_cast %parallel_loop3A_660 : i32 to index
        %parallel_loop3A_662 = tpu.vector_load %arg10[%parallel_loop3A_661] {strides = array<i32>} : memref<2848xf32, #tpu.memory_space<vmem>>, vector<16xf32>,
        %parallel_loop3A_663 = arith.mulf %parallel_loop3A_662, %parallel_loop3A_189 : vector<16xf32>
        %parallel_loop3A_664 = arith.addf %parallel_loop3A_658, %parallel_loop3A_663 : vector<16xf32>
        %parallel_loop3A_665 = arith.constant 1088 : i32
        %parallel_loop3A_666 = arith.addi %mul3A_20, %parallel_loop3A_665 : i32
        %parallel_loop3A_667 = arith.index_cast %parallel_loop3A_666 : i32 to index
        %parallel_loop3A_668 = tpu.vector_load %arg10[%parallel_loop3A_667] {strides = array<i32>} : memref<2848xf32, #tpu.memory_space<vmem>>, vector<16xf32>,
        %parallel_loop3A_669 = arith.mulf %parallel_loop3A_668, %parallel_loop3A_202 : vector<16xf32>
        %parallel_loop3A_670 = arith.addf %parallel_loop3A_664, %parallel_loop3A_669 : vector<16xf32>
        %parallel_loop3A_671 = arith.constant 1104 : i32
        %parallel_loop3A_672 = arith.addi %mul3A_20, %parallel_loop3A_671 : i32
        %parallel_loop3A_673 = arith.index_cast %parallel_loop3A_672 : i32 to index
        %parallel_loop3A_674 = tpu.vector_load %arg10[%parallel_loop3A_673] {strides = array<i32>} : memref<2848xf32, #tpu.memory_space<vmem>>, vector<16xf32>,
        %parallel_loop3A_675 = arith.mulf %parallel_loop3A_674, %parallel_loop3A_215 : vector<16xf32>
        %parallel_loop3A_676 = arith.addf %parallel_loop3A_670, %parallel_loop3A_675 : vector<16xf32>
        %parallel_loop3A_677 = arith.constant 1120 : i32
        %parallel_loop3A_678 = arith.addi %mul3A_20, %parallel_loop3A_677 : i32
        %parallel_loop3A_679 = arith.index_cast %parallel_loop3A_678 : i32 to index
        %parallel_loop3A_680 = tpu.vector_load %arg10[%parallel_loop3A_679] {strides = array<i32>} : memref<2848xf32, #tpu.memory_space<vmem>>, vector<16xf32>,
        %parallel_loop3A_681 = arith.mulf %parallel_loop3A_680, %parallel_loop3A_228 : vector<16xf32>
        %parallel_loop3A_682 = arith.addf %parallel_loop3A_676, %parallel_loop3A_681 : vector<16xf32>
        %parallel_loop3A_683 = arith.constant 1136 : i32
        %parallel_loop3A_684 = arith.addi %mul3A_20, %parallel_loop3A_683 : i32
        %parallel_loop3A_685 = arith.index_cast %parallel_loop3A_684 : i32 to index
        %parallel_loop3A_686 = tpu.vector_load %arg10[%parallel_loop3A_685] {strides = array<i32>} : memref<2848xf32, #tpu.memory_space<vmem>>, vector<16xf32>,
        %parallel_loop3A_687 = arith.mulf %parallel_loop3A_686, %parallel_loop3A_241 : vector<16xf32>
        %parallel_loop3A_688 = arith.addf %parallel_loop3A_682, %parallel_loop3A_687 : vector<16xf32>
        %parallel_loop3A_689 = math.exp %parallel_loop3A_688 : vector<16xf32>
        %parallel_loop3A_690 = arith.constant 1.000000e+00 : f32
        %parallel_loop3A_691 = vector.broadcast %parallel_loop3A_690 : f32 to vector<16xf32>
        %parallel_loop3A_692 = arith.addf %parallel_loop3A_689, %parallel_loop3A_691 : vector<16xf32>
        %parallel_loop3A_693 = arith.constant 1.000000e+00 : f32
        %parallel_loop3A_694 = vector.broadcast %parallel_loop3A_693 : f32 to vector<16xf32>
        %parallel_loop3A_695 = arith.divf %parallel_loop3A_694, %parallel_loop3A_692 : vector<16xf32>
        %parallel_loop3A_696 = arith.mulf %get3A_118, %parallel_loop3A_695 : vector<16xf32>
        %parallel_loop3A_697 = arith.addf %parallel_loop3A_640, %parallel_loop3A_696 : vector<16xf32>
        %parallel_loop3A_698 = math.exp %parallel_loop3A_697 : vector<16xf32>
        %parallel_loop3A_699 = arith.select %eq3A_23, %parallel_loop3A_698, %parallel_loop3A_697 : vector<16xf32>
        %parallel_loop3A_700 = arith.addi %mul3A_22, %parallel_loop3A_128 : i32
        %parallel_loop3A_701 = arith.index_cast %parallel_loop3A_700 : i32 to index
        %parallel_loop3A_702 = tpu.vector_load %arg11[%parallel_loop3A_701] {strides = array<i32>} : memref<2048xf32, #tpu.memory_space<vmem>>, vector<16xf32>,
        tpu.vector_store %arg11[%parallel_loop3A_701], %parallel_loop3A_699 {strides = array<i32>} : memref<2048xf32, #tpu.memory_space<vmem>>, vector<16xf32>,
      } {sc.loop_unroll_factor = 1 : i64, sc.parallel_access}
    }
    %scan3A_15 = arith.constant 2 : i32
    "tpu.region"() ({
      %run_scoped3A = tpu.sem_alloc : memref<!tpu.dma_semaphore, #tpu.memory_space<semaphore_mem>>
      %dma_start3A_16 = arith.constant 0 : i32
      %dma_start3A_17 = tpu.memref_slice %arg11[%dma_start3A_16] : memref<2048xf32, #tpu.memory_space<vmem>> -> memref<1024xf32, #tpu.memory_space<vmem>>
      %dma_start3A_18 = tpu.memref_slice %arg5[%mul3A_2] : memref<32768xf32, #tpu.memory_space<hbm>> -> memref<1024xf32, #tpu.memory_space<hbm>>
      %dma_start3A_19 = tpu.memref_slice %arg5[%mul3A_2] : memref<32768xf32, #tpu.memory_space<hbm>> -> memref<1024xf32, #tpu.memory_space<hbm>>
      %dma_start3A_20 = arith.constant 0 : i32
      %dma_start3A_21 = tpu.memref_slice %arg11[%dma_start3A_20] : memref<2048xf32, #tpu.memory_space<vmem>> -> memref<1024xf32, #tpu.memory_space<vmem>>
      tpu.enqueue_dma source(%dma_start3A_21 : memref<1024xf32, #tpu.memory_space<vmem>>) target(%dma_start3A_19 : memref<1024xf32, #tpu.memory_space<hbm>>) target_semaphore(%run_scoped3A : memref<!tpu.dma_semaphore, #tpu.memory_space<semaphore_mem>>)
      %dma_wait3A_22 = arith.constant 0 : i32
      %dma_wait3A_23 = tpu.memref_slice %arg11[%dma_wait3A_22] : memref<2048xf32, #tpu.memory_space<vmem>> -> memref<1024xf32, #tpu.memory_space<vmem>>
      %dma_wait3A_24 = tpu.memref_slice %arg5[%mul3A_2] : memref<32768xf32, #tpu.memory_space<hbm>> -> memref<1024xf32, #tpu.memory_space<hbm>>
      %dma_wait3A_25 = tpu.memref_slice %arg5[%mul3A_2] : memref<32768xf32, #tpu.memory_space<hbm>> -> memref<1024xf32, #tpu.memory_space<hbm>>
      %dma_wait3A_26 = arith.constant 0 : i32
      %dma_wait3A_27 = tpu.memref_slice %arg11[%dma_wait3A_26] : memref<2048xf32, #tpu.memory_space<vmem>> -> memref<1024xf32, #tpu.memory_space<vmem>>
      tpu.wait_dma2 semaphore(%run_scoped3A : memref<!tpu.dma_semaphore, #tpu.memory_space<semaphore_mem>>) src(%dma_wait3A_27 : memref<1024xf32, #tpu.memory_space<vmem>>) dst(%dma_wait3A_25 : memref<1024xf32, #tpu.memory_space<hbm>>)
      tpu.yield
    }) : () -> ()
    "tpu.region"() ({
      %run_scoped3A = tpu.sem_alloc : memref<!tpu.dma_semaphore, #tpu.memory_space<semaphore_mem>>
      %dma_start3A_16 = arith.constant 1024 : i32
      %dma_start3A_17 = tpu.memref_slice %arg11[%dma_start3A_16] : memref<2048xf32, #tpu.memory_space<vmem>> -> memref<1024xf32, #tpu.memory_space<vmem>>
      %dma_start3A_18 = tpu.memref_slice %arg6[%mul3A_2] : memref<32768xf32, #tpu.memory_space<hbm>> -> memref<1024xf32, #tpu.memory_space<hbm>>
      %dma_start3A_19 = tpu.memref_slice %arg6[%mul3A_2] : memref<32768xf32, #tpu.memory_space<hbm>> -> memref<1024xf32, #tpu.memory_space<hbm>>
      %dma_start3A_20 = arith.constant 1024 : i32
      %dma_start3A_21 = tpu.memref_slice %arg11[%dma_start3A_20] : memref<2048xf32, #tpu.memory_space<vmem>> -> memref<1024xf32, #tpu.memory_space<vmem>>
      tpu.enqueue_dma source(%dma_start3A_21 : memref<1024xf32, #tpu.memory_space<vmem>>) target(%dma_start3A_19 : memref<1024xf32, #tpu.memory_space<hbm>>) target_semaphore(%run_scoped3A : memref<!tpu.dma_semaphore, #tpu.memory_space<semaphore_mem>>)
      %dma_wait3A_22 = arith.constant 1024 : i32
      %dma_wait3A_23 = tpu.memref_slice %arg11[%dma_wait3A_22] : memref<2048xf32, #tpu.memory_space<vmem>> -> memref<1024xf32, #tpu.memory_space<vmem>>
      %dma_wait3A_24 = tpu.memref_slice %arg6[%mul3A_2] : memref<32768xf32, #tpu.memory_space<hbm>> -> memref<1024xf32, #tpu.memory_space<hbm>>
      %dma_wait3A_25 = tpu.memref_slice %arg6[%mul3A_2] : memref<32768xf32, #tpu.memory_space<hbm>> -> memref<1024xf32, #tpu.memory_space<hbm>>
      %dma_wait3A_26 = arith.constant 1024 : i32
      %dma_wait3A_27 = tpu.memref_slice %arg11[%dma_wait3A_26] : memref<2048xf32, #tpu.memory_space<vmem>> -> memref<1024xf32, #tpu.memory_space<vmem>>
      tpu.wait_dma2 semaphore(%run_scoped3A : memref<!tpu.dma_semaphore, #tpu.memory_space<semaphore_mem>>) src(%dma_wait3A_27 : memref<1024xf32, #tpu.memory_space<vmem>>) dst(%dma_wait3A_25 : memref<1024xf32, #tpu.memory_space<hbm>>)
      tpu.yield
    }) : () -> ()
    return
  }
}

</mosaic_0001>

<sc_bundles>
// kernel: kernel.3.cloned.1.call-start
scs
__scs_entry_jumppad:
0x0: {  	(pc) =	sbr.rel $0x88, $3  }
0x1: {  	(tag) =	ssettag $0x0;
	lr =	simm.s32 $0x1  }
0x2: {  	[smem:$0x3F93] =	sst lr;
	_ =	strace $0xD0000000  }
0x3: {  	_ = 	snop  }
0x4: {  	_ = 	snop  }
0x5: {  	_ = 	snop  }
0x6: {  	_ = 	snop  }
0x7: {  	_ = 	snop  }
__scs_overlays_trampoline_lowered:
0x8: {  	[smem:$0x3FA2] =	sst s0  }
0x9: {  	[smem:$0x3FA3] =	sst s1  }
0xa: {  	[smem:$0x3FA4] =	sst s2  }
0xb: {  	[smem:$0x3FA5] =	sst s3  }
0xc: {  	[smem:$0x3FA6] =	sst s4  }
0xd: {  	[smem:$0x3FA7] =	sst s5  }
0xe: {  	[smem:$0x3FA8] =	sst s6  }
0xf: {  	[smem:$0x3FA9] =	sst s7  }
0x10: {  	[smem:$0x3FAA] =	sst s8  }
0x11: {  	[smem:$0x3FAB] =	sst s9;
	s0 =	simm.s32 @!p0 $0x0  }
0x12: {  	s1 =	sld [smem:$0x3F91];
	s0 =	simm.s32 @p0 $0x1  }
0x13: {  	[smem:$0x3FAC] =	sst s0;
	s0 =	simm.s32 @!p1 $0x0  }
0x14: {  	s2 =	sld [smem:$0x3F90];
	s0 =	simm.s32 @p1 $0x1  }
0x15: {  	[smem:$0x3FAD] =	sst s0;
	s0 =	simm.s32 @!p2 $0x0  }
0x16: {  	s3 =	sld [smem:$0x3FDB];
	s0 =	simm.s32 @p2 $0x1  }
0x17: {  	s4 =	simm.s32 $0x1BF5;
	[smem:$0x3FAF] =	sst s0  }
0x18: {  	s0 =	sld [smem:$0x3F92];
	_ =	swait.ge [sflag:s4], $0x0  }
0x19: {  	s7 =	sld [smem:$0x3F93]  }
0x1a: {  	s8 =	sadd.s32 $0xFFFFE003, lr  }
0x1b: {  	s9 =	sadd.s32 $0xFFFFFEF7, lr;
	s5 =	simm.s32 $0xFFFFFFFF;
	p2 =	slt.u32 s8, $0xFFFFF086  }
0x1c: {  	p1 =	slt.u32 s9, $0xF7A;
	s5 =	simm.s32 @!p2 $0x0  }
0x1d: {  	s5 =	simm.s32 @p1 $0x1;
	p0 =	seq.s32 s7, s2  }
0x1e: {  	s7 =	smul.u32 @!p0 $0xF7A, s2;
	p2 =	seq.s32 @!p0 s5, $0x0  }
0x1f: {  	s9 =	smul.u32 $0xF7A, s1;
	s8 =	simm.s32 @!p0 $0x1BF5;
	p2 =	por !p2, p0  }
0x20: {  	[sflag:s8] =	ssyncset.s32 @!p0 $0xFFFFF086;
	s6 =	sadd.s32 @!p0 s3, s7;
	s7 =	simm.s32 @!p0 $0x108  }
0x21: {  	s3 =	sadd.s32 s3, s9;
	s6 =	sadd.s32 @!p0 $0x88, s6;
	s7 =	simm.s32 @p2 $0x1082  }
0x22: {  	[simem:s7], [sflag:s8] =	dma.local @!p0 [hbm:s6], $0xF7A  }
0x23: {  	s9 =	sor.u32 $0xD0000000, s2;
	s6 =	simm.s32 $0x108;
	_ =	swait.ge @!p0 [sflag:s8], $0x0  }
0x24: {  	s3 =	sadd.s32 $0x88, s3;
	s6 =	simm.s32 @!p1 $0x1082;
	[sflag:s4] =	ssyncset.s32 $0xFFFFF086  }
0x25: {  	[simem:s6], [sflag:s4] =	dma.local [hbm:s3], $0xF7A  }
0x26: {  	[smem:$0x3F93] =	sst s1;
	(tag) =	ssettag s2;
	_ =	strace s9  }
0x27: {  	s1 =	sld [smem:$0x3FA3]  }
0x28: {  	s2 =	sld [smem:$0x3FA4]  }
0x29: {  	s4 =	sld [smem:$0x3FA6]  }
0x2a: {  	p0 =	seq.s32 s5, $0x0;
	s5 =	sld [smem:$0x3FA7]  }
0x2b: {  	s6 =	sld [smem:$0x3FA8]  }
0x2c: {  	s7 =	sld [smem:$0x3FA9]  }
0x2d: {  	s3 =	simm.s32 $0x108;
	s8 =	sld [smem:$0x3FAA]  }
0x2e: {  	s3 =	simm.s32 @!p0 $0x1082;
	s9 =	sld [smem:$0x3FAB]  }
0x2f: {  	lr =	sadd.s32 s0, s3;
	s0 =	sld [smem:$0x3FA2]  }
0x30: {  	s3 =	sld [smem:$0x3FA5]  }
0x31: {  	[smem:$0x3FAE] =	sst s10  }
0x32: {  	s10 =	sld [smem:$0x3FAC];
	_ =	sdelay $0x3  }
0x33: {  	p0 =	seq.s32 s10, $0x1;
	s10 =	sld [smem:$0x3FAE];
	_ =	sdelay $0x3  }
0x34: {  	[smem:$0x3FAE] =	sst s10  }
0x35: {  	s10 =	sld [smem:$0x3FAD];
	_ =	sdelay $0x3  }
0x36: {  	p1 =	seq.s32 s10, $0x1;
	s10 =	sld [smem:$0x3FAE];
	_ =	sdelay $0x3  }
0x37: {  	[smem:$0x3FAE] =	sst s10  }
0x38: {  	s10 =	sld [smem:$0x3FAF]  }
0x39: {  	_ = 	snop;
	(pc) =	sbr.ind lr, $3  }
0x3a: {  	_ = 	snop  }
0x3b: {  	_ = 	snop  }
0x3c: {  	p2 =	seq.s32 s10, $0x1;
	s10 =	sld [smem:$0x3FAE]  }
0x3d: {  	_ =	shalt  }
0x3e: {  	_ =	shalt  }
0x3f: {  	_ =	shalt  }
0x40: {  	_ =	shalt  }
0x41: {  	_ =	shalt  }
0x42: {  	_ =	shalt  }
0x43: {  	_ =	shalt  }
0x44: {  	_ =	shalt  }
0x45: {  	_ =	shalt  }
0x46: {  	_ =	shalt  }
0x47: {  	_ =	shalt  }
0x48: {  	_ =	shalt  }
0x49: {  	_ =	shalt  }
0x4a: {  	_ =	shalt  }
0x4b: {  	_ =	shalt  }
0x4c: {  	_ =	shalt  }
0x4d: {  	_ =	shalt  }
0x4e: {  	_ =	shalt  }
0x4f: {  	_ =	shalt  }
0x50: {  	_ =	shalt  }
0x51: {  	_ =	shalt  }
0x52: {  	_ =	shalt  }
0x53: {  	_ =	shalt  }
0x54: {  	_ =	shalt  }
0x55: {  	_ =	shalt  }
0x56: {  	_ =	shalt  }
0x57: {  	_ =	shalt  }
0x58: {  	_ =	shalt  }
0x59: {  	_ =	shalt  }
0x5a: {  	_ =	shalt  }
0x5b: {  	_ =	shalt  }
0x5c: {  	_ =	shalt  }
0x5d: {  	_ =	shalt  }
0x5e: {  	_ =	shalt  }
0x5f: {  	_ =	shalt  }
0x60: {  	_ =	shalt  }
0x61: {  	_ =	shalt  }
0x62: {  	_ =	shalt  }
0x63: {  	_ =	shalt  }
0x64: {  	_ =	shalt  }
0x65: {  	_ =	shalt  }
0x66: {  	_ =	shalt  }
0x67: {  	_ =	shalt  }
0x68: {  	_ =	shalt  }
0x69: {  	_ =	shalt  }
0x6a: {  	_ =	shalt  }
0x6b: {  	_ =	shalt  }
0x6c: {  	_ =	shalt  }
0x6d: {  	_ =	shalt  }
0x6e: {  	_ =	shalt  }
0x6f: {  	_ =	shalt  }
0x70: {  	_ =	shalt  }
0x71: {  	_ =	shalt  }
0x72: {  	_ =	shalt  }
0x73: {  	_ =	shalt  }
0x74: {  	_ =	shalt  }
0x75: {  	_ =	shalt  }
0x76: {  	_ =	shalt  }
0x77: {  	_ =	shalt  }
0x78: {  	_ =	shalt  }
0x79: {  	_ =	shalt  }
0x7a: {  	_ =	shalt  }
0x7b: {  	_ =	shalt  }
0x7c: {  	_ =	shalt  }
0x7d: {  	_ =	shalt  }
0x7e: {  	_ =	shalt  }
0x7f: {  	_ =	shalt  }
0x80: {  	_ =	shalt  }
0x81: {  	_ =	shalt  }
0x82: {  	_ =	shalt  }
0x83: {  	_ =	shalt  }
0x84: {  	_ =	shalt  }
0x85: {  	_ =	shalt  }
0x86: {  	_ =	shalt  }
0x87: {  	_ =	shalt  }
.Lfunc_end0:
.L_simem_size_0:
called_computation_lowered:
.L_overlay_start_0:
0x88: {  	s2 =	sld [smem:$0x3FD9]  }
0x89: {  	s3 =	sld [smem:$0x3FFE];
	_ =	sdelay $0x1  }
0x8a: {  	s1 =	srdreg.scid  }
0x8b: {  	s0 =	sand.u32 $0x1, s1  }
0x8c: {  	s14 =	sshll.u32 s0, $0xA;
	s2 =	sadd.s32 s3, s2  }
0x8d: {  	s2 =	sadd.s32 s2, s14  }
0x8e: {  	[smem:$0x3FBA] =	sst s2  }
0x8f: {  	_ = 	snop  }
0x90: {  	s2 =	sld [smem:$0x3FD0];
	_ =	sdelay $0x1  }
0x91: {  	s15 =	sld [smem:$0x3FC9]  }
0x92: {  	s5 =	simm.s32 $0xA;
	s6 =	simm.s32 $0x10;
	s4 =	sld [smem:$0x3FC8]  }
0x93: {  	[smem:s6], [sflag:s5] =	dma.local [hbm:s2], $0x1  }
0x94: {  	_ =	swait.eq [sflag:s5], $0x1  }
0x95: {  	[sflag:s5] =	ssyncset.done $0x0  }
0x96: {  	s16 =	sld [smem:$0x10];
	[sflag:s5] =	ssyncadd.s32 $0xFFFFFFFF  }
0x97: {  	s17 =	sld [smem:$0x11];
	(tm) =	ssettm $0x1  }
0x98: {  	s18 =	sld [smem:$0x3FFB];
	_ =	sdelay $0x3  }
0x99: {  	_ =	strace s18  }
0x9a: {  	s6 =	sld [smem:$0x3FFC];
	_ =	sdelay $0x3  }
0x9b: {  	_ =	strace s6  }
0x9c: {  	s6 =	sld [smem:$0x3FFD];
	_ =	sdelay $0x3  }
0x9d: {  	_ =	strace s6  }
0x9e: {  	_ =	strace $0x8FFFFFFF  }
0x9f: {  	s19 =	sld [smem:$0x3FDB];
	_ =	sdelay $0x1  }
0xa0: {  	s7 =	simm.s32 $_scs_section_size  }
0xa1: {  	s8 =	simm.s32 $_size__tile_overlayer_lowered;
	s9 =	simm.s32 $_tile_overlayer_lowered  }
0xa2: {  	s22 =	simm.s32 $0x1BFF;
	s21 =	sshll.u32 s9, $0x1;
	s6 =	sadd.s32 s7, s19  }
0xa3: {  	s10 =	simm.s32 $0x0;
	s20 =	sshll.u32 s8, $0x1;
	s8 =	sadd.s32 s21, s6  }
0xa4: {  	[timem:s10], [sflag:s22] =	dma.local [hbm:s8], s20  }
0xa5: {  	_ =	swait.ge [sflag:s22], s20  }
0xa6: {  	s7 =	ssub.s32 $0x0, s20;
	[sflag:s22] =	ssyncset.done $0x0  }
0xa7: {  	[sflag:s22] =	ssyncadd.s32 s7;
	_ =	sdelay $0x1  }
0xa8: {  	s23 =	simm.s32 $0x1B8B  }
0xa9: {  	_ =	swait.ge [sflag:s23], $0x1  }
0xaa: {  	[sflag:s23] =	ssyncset.done $0x0  }
0xab: {  	s25 =	simm.s32 $0x1B8E;
	s24 =	sld [smem:$0x3FFE];
	[sflag:s23] =	ssyncadd.s32 $0xFFFFFFFF  }
0xac: {  	s26 =	simm.s32 $execute0_lowered;
	[smem:$0x3FD2] =	sst s25  }
0xad: {  	s8 =	sshll.u32 s26, $0x1;
	_ =	strace $0x80000046;
	[dreg:$0x1] =	wrdreg $0xFFFFFFFF  }
0xae: {  	s28 =	simm.s32 $_size_execute0_lowered;
	s6 =	sadd.s32 s6, s8;
	[dreg:$0x0] =	wrdreg $0x0  }
0xaf: {  	s8 =	sshll.u32 s28, $0x1;
	[dreg:$0x2] =	wrdreg s6  }
0xb0: {  	[dreg:$0x3] =	wrdreg s8  }
0xb1: {  	[dreg:$0x4] =	wrdreg $0xC0  }
0xb2: {  	_ =	task [dreg:s10], $0x5FFFF  }
0xb3: {  	[dreg:$0x1] =	wrdreg $0xFFFFFFFF  }
0xb4: {  	[dreg:$0x0] =	wrdreg $0x60  }
0xb5: {  	[dreg:$0x2] =	wrdreg s15  }
0xb6: {  	[dreg:$0x3] =	wrdreg s4  }
0xb7: {  	[dreg:$0x4] =	wrdreg s24  }
0xb8: {  	[dreg:$0x5] =	wrdreg s16  }
0xb9: {  	[dreg:$0x6] =	wrdreg s17  }
0xba: {  	[dreg:$0x7] =	wrdreg $0x9  }
0xbb: {  	_ =	task.clear_ibuf [dreg:s10], $0x8FFFF;
	_ =	strace $0x90000046  }
0xbc: {  	s29 =	simm.s32 $0x9;
	_ =	strace $0x80000048  }
0xbd: {  	_ =	swait.ge [sflag:s29], $0x1  }
0xbe: {  	[sflag:s29] =	ssyncadd.s32 $0xFFFFFFFF  }
0xbf: {  	_ =	strace $0x90000048  }
0xc0: {  	_ =	sfence  }
0xc1: {  	s30 =	sld [smem:$0x0];
	_ =	sdelay $0x2  }
0xc2: {  	s31 =	sshll.u32 s1, $0xD;
	s1 =	sshrl.u32 s1, $0x2  }
0xc3: {  	s3 =	sand.u32 $0x4000, s31;
	s1 =	sadd.s32 s1, s30  }
0xc4: {  	s0 =	sor.u32 s3, s0;
	s1 =	sshll.u32 s1, $0x11  }
0xc5: {  	s0 =	sor.u32 s1, s0  }
0xc6: {  	s0 =	sadd.s32 $0x8F2B, s0  }
0xc7: {  	[sflag:s0] =	ssyncadd.remote.s32 $0x1  }
0xc8: {  	_ =	sfence.sel $0xFFFF  }
0xc9: {  	[dreg:$0x0] =	wrdreg $0xFFFFFFFF;
	(pc) =	sbr.abs _section_cstart, $3  }
0xca: {  	[dreg:$0x1] =	wrdreg $0xFFFFFFFF  }
0xcb: {  	_ =	task.clear_ibuf [dreg:s10], $0x2FFFF;
	_ =	strace $0x9FFFFFFF  }
0xcc: {  	(tm) =	ssettm $0x7FFFFFFF  }
0xcd: {  	_ =	shalt  }
tec
execute0_lowered:
.L_overlay_start_1:
0x0: {  	(tag) =	ssettag $0x1  }
0x1: {  	s4 =	rddreg [dreg:$0x0]  }
0x2: {  	s5 =	rddreg [dreg:$0x1]  }
0x3: {  	s1 =	rddreg [dreg:$0x2]  }
0x4: {  	s6 =	rddreg [dreg:$0x3]  }
0x5: {  	s7 =	rddreg [dreg:$0x4];
	s2 =	srdreg.scid  }
0x6: {  	s0 =	rddreg [dreg:$0x5];
	s3 =	simm.s32 $0x0;
	s12 =	simm.s32 $0x1500  }
0x7: {  	s13 =	simm.s32 $0x2;
	s14 =	simm.s32 $0x1900;
	s15 =	simm.s32 $0x0  }
0x8: {  	s8 =	sand.u32 $0x1, s2;
	[smem:$0x7FF] =	sst s3;
	s2 =	stileid.u32  }
0x9: {  	s9 =	ssub.s32 $0x2, s8;
	s8 =	sshll.u32 s8, $0xB;
	s11 =	sshll.u32 s2, $0x7  }
0xa: {  	_ =	strace $0x80000047;
	s10 =	sshrl.u32 s9, $0x1;
	s8 =	sor.u32 s11, s8  }
0xb: {  	s11 =	simm.s32 $0x1;
	s9 =	ssub.s32 s9, s10;
	s4 =	sadd.s32 s4, s8  }
0xc: {  	s5 =	sadd.s32 s5, s8;
	s6 =	sadd.s32 s6, s8;
	s7 =	sadd.s32 s7, s8  }
0xd: {  	s10 =	simm.s32 $0x800;
	s8 =	smax.u32 s9, $0x1;
	s9 =	simm.s32 $0x400  }
.LBB2_1:
0xe: {  	[tilespmem:s3], [sflag:$0x1] =	stream.linear.gather [hbm4b:s4+s3], $0x400, $0x38;
	[tilespmem:$0x1D00] =	vst v63  }
0xf: {  	_ = 	snop  }
0x10: {  	[tilespmem:s9], [sflag:$0x1] =	stream.linear.gather [hbm4b:s5+s3], $0x400, $0x38;
	[tilespmem:$0x1D00] =	vst v63  }
0x11: {  	_ = 	snop  }
0x12: {  	[tilespmem:s10], [sflag:$0x1] =	stream.linear.gather [hbm4b:s1+s3], $0x180, $0x38;
	[tilespmem:$0x1D00] =	vst v63  }
0x13: {  	_ =	swait.ge [sflag:s11], $0x400  }
0x14: {  	[sflag:s11] =	ssyncset.done $0x0  }
0x15: {  	[sflag:s11] =	ssyncadd.s32 $0xFFFFFC00  }
0x16: {  	s16 =	simm.s32 $0x40;
	_ =	swait.ge [sflag:s11], $0x400  }
0x17: {  	v0 =	vmov s16;
	[sflag:s11] =	ssyncset.done $0x0  }
0x18: {  	[sflag:s11] =	ssyncadd.s32 $0xFFFFFC00  }
0x19: {  	_ =	swait.ge [sflag:s11], $0x180  }
0x1a: {  	s30 =	simm.s32 $0x41;
	[sflag:s11] =	ssyncset.done $0x0  }
0x1b: {  	v1 =	vmov s30;
	[sflag:s11] =	ssyncadd.s32 $0xFFFFFE80  }
0x1c: {  	s31 =	simm.s32 $0xD9;
	v0 =	vld.idx.msk [tilespmem:v0+s10+$0x0], $0xffff  }
0x1d: {  	v2 =	vmov s31;
	_ =	sdelay $0x1  }
0x1e: {  	s18 =	simm.s32 $0x42  }
0x1f: {  	s17 =	simm.s32 $0xF10;
	v3 =	vld.idx.msk [tilespmem:v1+s10+$0x0], $0xffff;
	v1 =	vmov s18  }
0x20: {  	s19 =	simm.s32 $0xDA;
	[tilespmem:s17+$0xFFFFFA70] =	vst v0  }
0x21: {  	v0 =	vld.idx.msk [tilespmem:v2+s10+$0x0], $0xffff;
	v2 =	vmov s19;
	_ =	sdelay $0x1  }
0x22: {  	s16 =	simm.s32 $0xF20  }
0x23: {  	v1 =	vld.idx.msk [tilespmem:v1+s10+$0x0], $0xffff;
	[tilespmem:s16+$0xFFFFFA70] =	vst v3;
	s19 =	simm.s32 $0x43  }
.LBB2_2:
0x24: {  	p0 =	sne.s32 s19, $0x98;
	s20 =	sadd.s32 $0x99, s18  }
0x25: {  	v3 =	vmov s19;
	[tilespmem:s17+$0x0] =	vst v0;
	v0 =	vld.idx.msk [tilespmem:v2+s10+$0x0], $0xffff;
	s18 =	smov.u32 s19;
	s19 =	sadd.s32 $0x1, s19;
	s17 =	smov.u32 s16  }
.Ltmp0:
0x26: {  	v2 =	vmov s20;
	(pc) =	sbr.rel @p0 .LBB2_2-.Ltmp0, $3  }
0x27: {  	_ =	sdelay $0x1  }
0x28: {  	s16 =	sadd.s32 $0x10, s16  }
0x29: {  	[tilespmem:s16+$0xFFFFFA70] =	vst v1;
	v1 =	vld.idx.msk [tilespmem:v3+s10+$0x0], $0xffff  }
0x2a: {  	s18 =	sadd.s32 $0x99, s18  }
0x2b: {  	v3 =	vmov s18;
	_ =	sdelay $0x2  }
0x2c: {  	s31 =	sadd.s32 $0x10, s16  }
0x2d: {  	v2 =	vld.idx.msk [tilespmem:v2+s10+$0x0], $0xffff;
	[tilespmem:s31+$0xFFFFFA70] =	vst v1  }
0x2e: {  	v1 =	vld.idx.msk [tilespmem:v3+s10+$0x0], $0xffff;
	_ =	sdelay $0x2  }
0x2f: {  	[tilespmem:s17+$0x0] =	vst v0  }
0x30: {  	p1 =	por $0x1, $0x1;
	[tilespmem:s16+$0x0] =	vst v2  }
0x31: {  	p0 =	por $0x0, $0x0;
	s20 =	simm.s32 $0x0;
	s16 =	simm.s32 $0x0;
	[tilespmem:s31+$0x0] =	vst v1  }
.LBB2_4:
0x32: {  	s17 =	smul.u32 $0x590, s20;
	s18 =	simm.s32 $0x400  }
0x33: {  	v13 =	vld [tilespmem:s18+$0x0]  }
0x34: {  	v0 =	vld [tilespmem:s17+$0x980]  }
0x35: {  	v1 =	vld [tilespmem:s17+$0x990]  }
0x36: {  	v2 =	vld [tilespmem:s17+$0x9A0]  }
0x37: {  	v3 =	vld [tilespmem:s17+$0x9B0]  }
0x38: {  	v4 =	vld [tilespmem:s17+$0x9C0]  }
0x39: {  	v5 =	vld [tilespmem:s17+$0x9D0]  }
0x3a: {  	v6 =	vld [tilespmem:s17+$0x9E0]  }
0x3b: {  	v12 =	vld [tilespmem:s17+$0xE10]  }
0x3c: {  	v11 =	vld [tilespmem:s17+$0xE50]  }
0x3d: {  	s19 =	smul.u32 $0x99, s20;
	v8 =	vld [tilespmem:s17+$0xE70]  }
0x3e: {  	v7 =	vld [tilespmem:s17+$0x9F0]  }
0x3f: {  	v61 =	vld [tilespmem:s17+$0xE20];
	v10 =	vmov s19;
	v14 =	vshll.u32 v13, $0x3  }
0x40: {  	v9 =	vld [tilespmem:s17+$0xE30];
	[tilespmem:$0x1FFD0] =	vst v12;
	v17 =	vadd.s32 v10, v14  }
0x41: {  	s18 =	sand.u32 $0x7F0, s17;
	v63 =	vld [tilespmem:s17+$0xE40];
	[tilespmem:$0x1FFE0] =	vst v11  }
0x42: {  	v62 =	vld [tilespmem:s18+$0xE00];
	[tilespmem:$0x1FFF0] =	vst v8;
	v18 =	vadd.s32 $0x2, v17  }
0x43: {  	v19 =	vadd.s32 $0x4, v17;
	v23 =	vld [tilespmem:s16+$0x0]  }
0x44: {  	v13 =	vld [tilespmem:s17+$0xE60];
	v21 =	vadd.s32 $0x6, v17  }
0x45: {  	v20 =	vadd.s32 $0x5, v17;
	v24 =	vld.idx.msk [tilespmem:v17+s10+$0x0], $0xffff  }
0x46: {  	v22 =	vadd.s32 $0x1, v17;
	v32 =	vld [tilespmem:s17+$0xB10]  }
0x47: {  	v18 =	vld.idx.msk [tilespmem:v18+s10+$0x0], $0xffff  }
0x48: {  	v25 =	vadd.s32 $0x3, v17;
	v19 =	vld.idx.msk [tilespmem:v19+s10+$0x0], $0xffff;
	v26 =	vmul.f32 v23, v0  }
0x49: {  	v17 =	vadd.s32 $0x7, v17;
	v21 =	vld.idx.msk [tilespmem:v21+s10+$0x0], $0xffff  }
0x4a: {  	v20 =	vld.idx.msk [tilespmem:v20+s10+$0x0], $0xffff;
	v27 =	vmul.f32 v23, v2;
	v24 =	vadd.f32 v24, v26  }
0x4b: {  	v22 =	vld.idx.msk [tilespmem:v22+s10+$0x0], $0xffff;
	v28 =	vmul.f32 v23, v3;
	v26 =	vmul.f32 v23, v4  }
0x4c: {  	v33 =	vld [tilespmem:s18+$0xC00];
	v29 =	vmul.f32 v23, v6;
	v18 =	vadd.f32 v18, v27;
	v24 =	vmul.f32 $1.442695020e+00, v24  }
0x4d: {  	v25 =	vld.idx.msk [tilespmem:v25+s10+$0x0], $0xffff;
	v27 =	vmul.f32 v23, v5;
	v19 =	vadd.f32 v19, v26;
	v26 =	vmul.f32 v23, v1  }
0x4e: {  	v30 =	vld.idx.msk [tilespmem:v17+s10+$0x0], $0xffff;
	v29 =	vadd.f32 v21, v29;
	v31 =	vmul.f32 $1.442695020e+00, v18;
	(erf) = vpow2.f32 v24  }
0x4f: {  	v34 =	vld [tilespmem:s18+$0xA80];
	v23 =	vmul.f32 v23, v7;
	v20 =	vadd.f32 v20, v27;
	v19 =	vmul.f32 $1.442695020e+00, v19  }
0x50: {  	v36 =	vld [tilespmem:s18+$0xC80];
	v24 =	vadd.f32 v22, v26;
	v26 =	vmul.f32 $1.442695020e+00, v29;
	(erf) = vpow2.f32 v31  }
0x51: {  	v38 =	vld [tilespmem:s17+$0xAA0];
	v20 =	vmul.f32 $1.442695020e+00, v20;
	(erf) = vpow2.f32 v19  }
0x52: {  	v56 =	vld [tilespmem:s18+$0xB80];
	v19 =	vadd.f32 v25, v28;
	(erf) = vpow2.f32 v26  }
0x53: {  	v39 =	vld [tilespmem:s17+$0xB20];
	v24 =	vmul.f32 $1.442695020e+00, v24;
	(erf) = vpow2.f32 v20;
	v20 =	vadd.f32 v30, v23  }
0x54: {  	v58 =	vld [tilespmem:s17+$0xA40];
	v19 =	vmul.f32 $1.442695020e+00, v19  }
0x55: {  	v40 =	vld [tilespmem:s17+$0xA50];
	(erf) = vpow2.f32 v24  }
0x56: {  	v41 =	vld [tilespmem:s17+$0xA20];
	(erf) = vpow2.f32 v19  }
0x57: {  	v42 =	vld [tilespmem:s17+$0xA10];
	v19 =	vmul.f32 $1.442695020e+00, v20;
	v20 =	vpop (erf)  }
0x58: {  	v44 =	vld [tilespmem:s17+$0xC10];
	v20 =	vadd.f32 $1.000000000e+00, v20  }
0x59: {  	v46 =	vld [tilespmem:s17+$0xAB0]  }
0x5a: {  	v48 =	vld [tilespmem:s17+$0xB50];
	v26 =	vpop (erf)  }
0x5b: {  	v49 =	vld [tilespmem:s17+$0xA60];
	(erf) = vpow2.f32 v19;
	v19 =	vpop (erf)  }
0x5c: {  	v50 =	vld [tilespmem:s17+$0xC20];
	(erf) = vrcp.f32 v20;
	v19 =	vadd.f32 $1.000000000e+00, v19;
	v20 =	vpop (erf)  }
0x5d: {  	v51 =	vld [tilespmem:s17+$0xC60];
	v20 =	vadd.f32 $1.000000000e+00, v20;
	v35 =	vpop (erf)  }
0x5e: {  	v52 =	vld [tilespmem:s17+$0xAE0];
	(erf) = vrcp.f32 v19;
	v19 =	vadd.f32 $1.000000000e+00, v26;
	v37 =	vpop (erf)  }
0x5f: {  	v54 =	vld [tilespmem:s17+$0xB70];
	(erf) = vrcp.f32 v20;
	v57 =	vpop (erf)  }
0x60: {  	v60 =	vld [tilespmem:s17+$0xBB0];
	v20 =	vadd.f32 $1.000000000e+00, v37;
	(erf) = vrcp.f32 v19;
	v19 =	vadd.f32 $1.000000000e+00, v57  }
0x61: {  	v23 =	vld [tilespmem:s18+$0xA00];
	v26 =	vadd.f32 $1.000000000e+00, v35  }
0x62: {  	v27 =	vld [tilespmem:s18+$0xB00];
	(erf) = vrcp.f32 v20  }
0x63: {  	v25 =	vld [tilespmem:s18+$0xD80];
	(erf) = vrcp.f32 v26  }
0x64: {  	v17 =	vld [tilespmem:s17+$0xC90];
	(erf) = vrcp.f32 v19;
	v19 =	vpop (erf)  }
0x65: {  	v21 =	vld [tilespmem:s18+$0xD00];
	v43 =	vpop (erf)  }
0x66: {  	v22 =	vld [tilespmem:s17+$0xB40];
	v45 =	vmul.f32 v23, v43  }
0x67: {  	v18 =	vld [tilespmem:s17+$0xC40];
	v47 =	vmul.f32 v27, v43;
	v33 =	vmul.f32 v33, v43  }
0x68: {  	v29 =	vld [tilespmem:s17+$0xBA0];
	v20 =	vadd.f32 $1.000000000e+00, v19;
	v34 =	vmul.f32 v34, v43;
	v25 =	vmul.f32 v25, v43  }
0x69: {  	v31 =	vld [tilespmem:s17+$0xC30];
	v36 =	vmul.f32 v36, v43;
	v37 =	vmul.f32 v56, v43  }
0x6a: {  	v28 =	vld [tilespmem:s17+$0xB90];
	v19 =	vpop (erf);
	v21 =	vmul.f32 v21, v43;
	(erf) = vrcp.f32 v20  }
0x6b: {  	v30 =	vld [tilespmem:s17+$0xA30];
	v35 =	vmul.f32 v58, v19;
	v22 =	vmul.f32 v22, v19;
	v26 =	vpop (erf);
	v45 =	vadd.f32 v45, v62  }
0x6c: {  	v24 =	vld [tilespmem:s17+$0xAD0];
	v18 =	vmul.f32 v18, v19;
	v47 =	vadd.f32 v47, v61;
	v34 =	vadd.f32 v34, v12;
	v20 =	vpop (erf)  }
0x6d: {  	v56 =	vld [tilespmem:s17+$0xA70];
	v36 =	vadd.f32 v36, v11;
	v39 =	vmul.f32 v39, v20;
	v23 =	vpop (erf);
	v38 =	vmul.f32 v38, v20  }
0x6e: {  	v43 =	vld [tilespmem:s17+$0xCB0];
	v37 =	vadd.f32 v37, v9;
	v41 =	vmul.f32 v41, v20;
	v50 =	vmul.f32 v50, v20;
	v27 =	vpop (erf)  }
0x6f: {  	v58 =	vld [tilespmem:s17+$0xB60];
	v25 =	vadd.f32 v25, v8;
	v32 =	vmul.f32 v32, v23;
	v44 =	vmul.f32 v44, v23;
	v53 =	vpop (erf)  }
0x70: {  	v55 =	vmul.f32 v30, v53;
	v30 =	vadd.f32 v33, v63;
	v33 =	vmul.f32 v42, v23;
	v42 =	vld [tilespmem:s17+$0xAF0]  }
0x71: {  	v59 =	vmul.f32 v28, v23;
	v57 =	vmul.f32 v31, v53;
	v31 =	vadd.f32 v32, v47;
	v32 =	vld [tilespmem:s17+$0xCE0]  }
0x72: {  	v21 =	vadd.f32 v21, v13;
	v47 =	vmul.f32 v49, v26;
	v49 =	vmul.f32 v51, v26;
	v51 =	vld [tilespmem:s17+$0xA90]  }
0x73: {  	v17 =	vmul.f32 v17, v23;
	v40 =	vmul.f32 v40, v27;
	v33 =	vadd.f32 v33, v45;
	v45 =	vld [tilespmem:s17+$0xB30]  }
0x74: {  	v44 =	vadd.f32 v44, v30;
	v30 =	vmul.f32 v52, v26;
	v39 =	vadd.f32 v39, v31;
	v52 =	vld [tilespmem:s17+$0xBD0];
	v28 =	vpop (erf)  }
0x75: {  	v33 =	vadd.f32 v41, v33;
	v41 =	vmul.f32 v54, v28;
	v31 =	vmul.f32 v56, v28;
	v56 =	vld [tilespmem:s17+$0xD10]  }
0x76: {  	v44 =	vadd.f32 v50, v44;
	v50 =	vmul.f32 v58, v26;
	v58 =	vmul.f32 v60, v53;
	v60 =	vld [tilespmem:s17+$0xCA0]  }
0x77: {  	v37 =	vadd.f32 v59, v37;
	v54 =	vmul.f32 v29, v20;
	v29 =	vmul.f32 v42, v28;
	v42 =	vld [tilespmem:s17+$0xBE0]  }
0x78: {  	v24 =	vmul.f32 v24, v27;
	v48 =	vmul.f32 v48, v27;
	v33 =	vadd.f32 v55, v33;
	v55 =	vld [tilespmem:s17+$0xC50]  }
0x79: {  	v46 =	vmul.f32 v46, v53;
	v17 =	vadd.f32 v17, v36;
	v37 =	vadd.f32 v54, v37;
	v54 =	vld [tilespmem:s17+$0xCC0]  }
0x7a: {  	v43 =	vmul.f32 v43, v53;
	v45 =	vmul.f32 v45, v53;
	v33 =	vadd.f32 v35, v33;
	v35 =	vld [tilespmem:s17+$0xBF0]  }
0x7b: {  	v44 =	vadd.f32 v57, v44;
	v57 =	vmul.f32 v32, v26;
	v37 =	vadd.f32 v58, v37;
	v58 =	vld [tilespmem:s17+$0xD40]  }
0x7c: {  	v59 =	vadd.f32 v45, v39;
	v45 =	vmul.f32 v51, v23;
	v51 =	vmul.f32 v52, v27;
	v52 =	vld [tilespmem:s17+$0xC70]  }
0x7d: {  	v18 =	vadd.f32 v18, v44;
	v60 =	vmul.f32 v60, v20;
	v39 =	vld [tilespmem:s17+$0xCD0];
	v42 =	vmul.f32 v42, v26  }
0x7e: {  	v33 =	vadd.f32 v40, v33;
	v40 =	vld [tilespmem:s17+$0xDB0];
	v22 =	vadd.f32 v22, v59;
	v59 =	vmul.f32 v56, v23  }
0x7f: {  	v55 =	vmul.f32 v55, v27;
	v56 =	vld [tilespmem:s17+$0xD20];
	v17 =	vadd.f32 v60, v17;
	v34 =	vadd.f32 v45, v34  }
0x80: {  	v60 =	vmul.f32 v54, v19;
	v33 =	vadd.f32 v47, v33;
	v22 =	vadd.f32 v48, v22;
	v48 =	vld [tilespmem:s17+$0xBC0]  }
0x81: {  	v35 =	vmul.f32 v35, v28;
	v21 =	vadd.f32 v59, v21;
	v59 =	vld [tilespmem:s17+$0xDC0];
	v17 =	vadd.f32 v43, v17  }
0x82: {  	v54 =	vld [tilespmem:s17+$0xCF0];
	v18 =	vadd.f32 v55, v18;
	v34 =	vadd.f32 v38, v34;
	v36 =	vmul.f32 v52, v28  }
0x83: {  	v43 =	vld [tilespmem:s17+$0xD30];
	v39 =	vmul.f32 v39, v27;
	v22 =	vadd.f32 v50, v22;
	v17 =	vadd.f32 v60, v17  }
0x84: {  	s30 =	simm.s32 $0x410;
	v31 =	vadd.f32 v31, v33;
	v60 =	vld [tilespmem:s17+$0xD50];
	v34 =	vadd.f32 v46, v34;
	v55 =	vmul.f32 v56, v20  }
0x85: {  	v56 =	vld [tilespmem:s30+$0x0];
	v22 =	vadd.f32 v41, v22;
	v17 =	vadd.f32 v39, v17;
	v52 =	vmul.f32 v48, v19  }
0x86: {  	v45 =	vld [tilespmem:s17+$0xD60];
	v39 =	vmul.f32 v40, v53;
	v41 =	vadd.f32 v49, v18;
	v32 =	vmul.f32 v59, v19  }
0x87: {  	s19 =	simm.s32 $0x10;
	v59 =	vld [tilespmem:s17+$0xD90];
	v21 =	vadd.f32 v55, v21;
	[tilespmem:$0x1FF30] =	vst v10;
	v11 =	vmul.f32 $1.442695020e+00, v22;
	v37 =	vadd.f32 v52, v37  }
0x88: {  	v18 =	vadd.f32 v57, v17;
	v49 =	vld [tilespmem:s19+$0x0];
	v36 =	vadd.f32 v36, v41;
	v52 =	vmul.f32 v54, v28  }
0x89: {  	v54 =	vmul.f32 v58, v19;
	v55 =	vmul.f32 v60, v27;
	v37 =	vadd.f32 v51, v37  }
0x8a: {  	v51 =	vmul.f32 v43, v53;
	v53 =	vshll.u32 v56, $0x3;
	v18 =	vadd.f32 v52, v18;
	v43 =	vld [tilespmem:s17+$0xAC0]  }
0x8b: {  	v8 =	vld [tilespmem:s17+$0xE90];
	v36 =	vmul.f32 $1.442695020e+00, v36;
	v37 =	vadd.f32 v42, v37;
	v42 =	vadd.s32 v10, v53  }
0x8c: {  	v22 =	vld [tilespmem:s18+$0xE80];
	v23 =	vmul.f32 v59, v23;
	v57 =	vmul.f32 $1.442695020e+00, v18;
	v56 =	vadd.s32 $0x2, v42  }
0x8d: {  	v44 =	vld [tilespmem:s17+$0xD70];
	v21 =	vadd.f32 v51, v21;
	v53 =	vmul.f32 v45, v26;
	v47 =	vmul.f32 v49, v7  }
0x8e: {  	v59 =	vld [tilespmem:s17+$0xDA0];
	v51 =	vmul.f32 v49, v6;
	v52 =	vmul.f32 v49, v5;
	v58 =	vadd.s32 $0x4, v42  }
0x8f: {  	v60 =	vadd.s32 $0x6, v42;
	v21 =	vadd.f32 v54, v21;
	v43 =	vmul.f32 v43, v19;
	v19 =	vld [tilespmem:s17+$0xEA0]  }
0x90: {  	v40 =	vadd.s32 $0x1, v42;
	v48 =	vadd.s32 $0x3, v42;
	v38 =	vadd.s32 $0x5, v42;
	v54 =	vld.idx.msk [tilespmem:v42+s10+$0x0], $0xffff  }
0x91: {  	v50 =	vadd.f32 v23, v25;
	(erf) = vpow2.f32 v57;
	v21 =	vadd.f32 v55, v21;
	v56 =	vld.idx.msk [tilespmem:v56+s10+$0x0], $0xffff  }
0x92: {  	v35 =	vadd.f32 v35, v37;
	v57 =	vmul.f32 v49, v0;
	(erf) = vpow2.f32 v11;
	[tilespmem:$0x1FF40] =	vst v0;
	v0 =	vld [tilespmem:s17+$0xEB0]  }
0x93: {  	v55 =	vmul.f32 v44, v28;
	v37 =	vmul.f32 v59, v20;
	v21 =	vadd.f32 v53, v21;
	v58 =	vld.idx.msk [tilespmem:v58+s10+$0x0], $0xffff  }
0x94: {  	v11 =	vadd.s32 $0x7, v42;
	(erf) = vpow2.f32 v36;
	v42 =	vmul.f32 $1.442695020e+00, v35;
	v59 =	vld.idx.msk [tilespmem:v60+s10+$0x0], $0xffff;
	[tilespmem:$0x1FF50] =	vst v7  }
0x95: {  	v34 =	vadd.f32 v43, v34;
	[tilespmem:$0x1FF60] =	vst v2;
	v60 =	vmul.f32 v49, v2;
	v2 =	vld [tilespmem:s17+$0xED0];
	v21 =	vadd.f32 v55, v21  }
0x96: {  	v37 =	vadd.f32 v37, v50;
	v7 =	vmul.f32 v49, v4;
	v38 =	vld.idx.msk [tilespmem:v38+s10+$0x0], $0xffff;
	v20 =	vadd.f32 v54, v57  }
0x97: {  	v34 =	vadd.f32 v24, v34;
	[tilespmem:$0x1FF70] =	vst v4;
	v55 =	vmul.f32 v49, v3;
	v4 =	vld [tilespmem:s17+$0xEF0];
	v21 =	vmul.f32 $1.442695020e+00, v21  }
0x98: {  	v37 =	vadd.f32 v39, v37;
	v23 =	vld.idx.msk [tilespmem:v40+s10+$0x0], $0xffff;
	[tilespmem:$0x1FF80] =	vst v6;
	v35 =	vadd.f32 v56, v60;
	v25 =	vmul.f32 $1.442695020e+00, v20  }
0x99: {  	[tilespmem:$0x1FF90] =	vst v5;
	v5 =	vld [tilespmem:s18+$0xF00];
	v30 =	vadd.f32 v30, v34;
	(erf) = vpow2.f32 v21;
	v43 =	vadd.f32 v58, v7  }
0x9a: {  	v53 =	vld.idx.msk [tilespmem:v48+s10+$0x0], $0xffff;
	v36 =	vadd.f32 v59, v51;
	v35 =	vmul.f32 $1.442695020e+00, v35;
	(erf) = vpow2.f32 v25  }
0x9b: {  	v54 =	vld.idx.msk [tilespmem:v11+s10+$0x0], $0xffff;
	[tilespmem:$0x1FFA0] =	vst v1;
	v29 =	vadd.f32 v29, v30;
	v25 =	vmul.f32 v49, v1;
	v56 =	vmul.f32 $1.442695020e+00, v43  }
0x9c: {  	[tilespmem:$0x1FFB0] =	vst v3;
	v3 =	vld [tilespmem:s17+$0xEE0];
	v38 =	vadd.f32 v38, v52;
	v36 =	vmul.f32 $1.442695020e+00, v36;
	(erf) = vpow2.f32 v35  }
0x9d: {  	v48 =	vld [tilespmem:s17+$0xDD0];
	v30 =	vmul.f32 $1.442695020e+00, v31;
	v25 =	vadd.f32 v23, v25;
	(erf) = vpow2.f32 v56  }
0x9e: {  	v50 =	vld [tilespmem:s17+$0xDF0];
	v57 =	vmul.f32 $1.442695020e+00, v38;
	(erf) = vpow2.f32 v36  }
0x9f: {  	v31 =	vadd.f32 v32, v37;
	v37 =	vld [tilespmem:s18+$0xD80];
	v58 =	vpop (erf);
	v59 =	vadd.f32 v53, v55;
	v60 =	vmul.f32 $1.442695020e+00, v25  }
0xa0: {  	v39 =	vld [tilespmem:s17+$0xB90];
	v7 =	vadd.f32 $1.000000000e+00, v58;
	(erf) = vpow2.f32 v57  }
0xa1: {  	v44 =	vld [tilespmem:s17+$0xB10];
	v6 =	vadd.f32 v54, v47;
	v43 =	vpop (erf);
	v40 =	vmul.f32 $1.442695020e+00, v59;
	(erf) = vpow2.f32 v60  }
0xa2: {  	v41 =	vld [tilespmem:s17+$0xA30];
	v49 =	vpop (erf);
	(erf) = vrcp.f32 v7  }
0xa3: {  	v52 =	vld [tilespmem:s17+$0xDE0];
	v36 =	vmul.f32 $1.442695020e+00, v6;
	v51 =	vpop (erf);
	(erf) = vpow2.f32 v40  }
0xa4: {  	v45 =	vld [tilespmem:s17+$0xAD0];
	v54 =	vadd.f32 $1.000000000e+00, v51;
	v53 =	vpop (erf)  }
0xa5: {  	v33 =	vld [tilespmem:s17+$0xAA0];
	v27 =	vmul.f32 v48, v27;
	(erf) = vpow2.f32 v36;
	v55 =	vadd.f32 $1.000000000e+00, v53;
	v56 =	vpop (erf)  }
0xa6: {  	v29 =	vmul.f32 $1.442695020e+00, v29;
	v1 =	vld [tilespmem:s17+$0xEC0];
	(erf) = vrcp.f32 v54;
	v57 =	vpop (erf)  }
0xa7: {  	v47 =	vld [tilespmem:s18+$0xC00];
	v28 =	vmul.f32 v50, v28;
	v27 =	vadd.f32 v27, v31;
	(erf) = vrcp.f32 v55;
	v31 =	vpop (erf)  }
0xa8: {  	v50 =	vld [tilespmem:s18+$0xC80];
	v26 =	vmul.f32 v52, v26;
	(erf) = vpow2.f32 v30;
	v31 =	vadd.f32 $1.000000000e+00, v31  }
0xa9: {  	v6 =	vld [tilespmem:s17+$0xC90];
	v30 =	vadd.f32 $1.000000000e+00, v57;
	v58 =	vpop (erf);
	(erf) = vpow2.f32 v42  }
0xaa: {  	v25 =	vld [tilespmem:s17+$0xB40];
	v26 =	vadd.f32 v26, v27;
	v27 =	vadd.f32 $1.000000000e+00, v56;
	(erf) = vpow2.f32 v29;
	v59 =	vpop (erf)  }
0xab: {  	v7 =	vld [tilespmem:s17+$0xC40];
	v29 =	vadd.f32 $1.000000000e+00, v49;
	(erf) = vrcp.f32 v30;
	v32 =	vpop (erf)  }
0xac: {  	v40 =	vld [tilespmem:s17+$0xBA0];
	v26 =	vadd.f32 v28, v26;
	(erf) = vrcp.f32 v31;
	v31 =	vpop (erf)  }
0xad: {  	v36 =	vld [tilespmem:s18+$0xD00];
	v30 =	vadd.f32 $1.000000000e+00, v59;
	(erf) = vrcp.f32 v29;
	v29 =	vadd.f32 $1.000000000e+00, v31  }
0xae: {  	v53 =	vld [tilespmem:s17+$0xA10];
	v28 =	vadd.f32 $1.000000000e+00, v58;
	(erf) = vrcp.f32 v27;
	v27 =	vpop (erf)  }
0xaf: {  	v26 =	vmul.f32 $1.442695020e+00, v26;
	v54 =	vld [tilespmem:s17+$0xC10];
	(erf) = vrcp.f32 v30;
	v38 =	vpop (erf)  }
0xb0: {  	v56 =	vld [tilespmem:s18+$0xB80];
	v46 =	vpop (erf);
	(erf) = vrcp.f32 v28  }
0xb1: {  	v42 =	vld [tilespmem:s17+$0xC30];
	v27 =	vadd.f32 $1.000000000e+00, v27;
	(erf) = vrcp.f32 v29;
	v29 =	vpop (erf)  }
0xb2: {  	v28 =	vld [tilespmem:s18+$0xB00];
	v29 =	vadd.f32 $1.000000000e+00, v29;
	v60 =	vpop (erf);
	(erf) = vpow2.f32 v26  }
0xb3: {  	v43 =	vadd.f32 $1.000000000e+00, v43;
	v31 =	vld [tilespmem:s18+$0xA00];
	(erf) = vrcp.f32 v27;
	v26 =	vpop (erf)  }
0xb4: {  	v49 =	vld [tilespmem:s18+$0xA80];
	v30 =	vpop (erf);
	(erf) = vrcp.f32 v29  }
0xb5: {  	v57 =	vmul.f32 v32, v2;
	v27 =	vadd.f32 $1.000000000e+00, v26;
	v26 =	vpop (erf);
	(erf) = vrcp.f32 v43;
	v43 =	vld [tilespmem:s17+$0xB20];
	[tilespmem:$0x1FFC0] =	vst v3  }
0xb6: {  	v15 =	vmov v2;
	v58 =	vmul.f32 v38, v3;
	v47 =	vmul.f32 v47, v46;
	v52 =	vpop (erf);
	v59 =	vld [tilespmem:s17+$0xA20]  }
0xb7: {  	v56 =	vmul.f32 v56, v46;
	v48 =	vadd.f32 $1.000000000e+00, v60;
	v55 =	vmul.f32 v28, v46;
	v2 =	vld [tilespmem:s17+$0xC20];
	v29 =	vpop (erf)  }
0xb8: {  	v47 =	vadd.f32 v47, v63;
	(erf) = vrcp.f32 v27;
	v27 =	vmul.f32 v31, v46;
	v60 =	vld [tilespmem:s17+$0xA40];
	v31 =	vpop (erf)  }
0xb9: {  	v21 =	vmovc v9;
	v56 =	vadd.f32 v56, v9;
	v9 =	vld [tilespmem:s17+$0xC50];
	v55 =	vadd.f32 v55, v61;
	v44 =	vmul.f32 v44, v31  }
0xba: {  	v18 =	vmovc v62;
	v20 =	vmovc v61;
	(erf) = vrcp.f32 v48;
	v38 =	vadd.f32 v27, v62;
	v62 =	vld [tilespmem:s17+$0xA50];
	v53 =	vmul.f32 v53, v31  }
0xbb: {  	v28 =	vpop (erf);
	v54 =	vmul.f32 v54, v31;
	v43 =	vmul.f32 v43, v29;
	v44 =	vadd.f32 v44, v55;
	v55 =	vld [tilespmem:s17+$0xAB0]  }
0xbc: {  	v32 =	vpop (erf);
	v38 =	vadd.f32 v53, v38;
	v53 =	vld [tilespmem:s17+$0xB50];
	v59 =	vmul.f32 v59, v29;
	v61 =	vmul.f32 v2, v29  }
0xbd: {  	v35 =	vpop (erf);
	v47 =	vadd.f32 v54, v47;
	v2 =	vmul.f32 v37, v46;
	v37 =	vmul.f32 v33, v29;
	v33 =	vld [tilespmem:$0x1FFD0]  }
0xbe: {  	v27 =	vpop (erf);
	v48 =	vadd.f32 $1.000000000e+00, v35;
	v43 =	vadd.f32 v43, v44;
	v44 =	vld [tilespmem:s17+$0xA60]  }
0xbf: {  	v39 =	vmul.f32 v39, v31;
	v41 =	vmul.f32 v41, v32;
	v3 =	vpop (erf);
	v38 =	vadd.f32 v59, v38;
	v59 =	vld [tilespmem:s17+$0xC60]  }
0xc0: {  	v42 =	vmul.f32 v42, v32;
	v47 =	vadd.f32 v61, v47;
	v61 =	vld [tilespmem:s17+$0xB70];
	(erf) = vrcp.f32 v48;
	v34 =	vpop (erf)  }
0xc1: {  	v23 =	vmov v63;
	v63 =	vmul.f32 v3, v22;
	v48 =	vmul.f32 v34, v19;
	v34 =	vld [tilespmem:s17+$0xA70]  }
0xc2: {  	v49 =	vmul.f32 v49, v46;
	v35 =	vpop (erf);
	v38 =	vadd.f32 v41, v38;
	v41 =	vadd.f32 v39, v56;
	v56 =	vld [tilespmem:s17+$0xAF0]  }
0xc3: {  	v47 =	vadd.f32 v42, v47;
	v42 =	vld [tilespmem:s17+$0xA90];
	v63 =	vadd.f32 v63, v5;
	v54 =	vmul.f32 v35, v8  }
0xc4: {  	v11 =	vmov v5;
	v50 =	vmul.f32 v50, v46;
	v52 =	vmul.f32 v52, v1;
	v5 =	vld [tilespmem:s17+$0xD10]  }
0xc5: {  	v17 =	vmovc v8;
	v40 =	vmul.f32 v40, v29;
	v60 =	vmul.f32 v60, v30;
	v35 =	vld [tilespmem:s17+$0xB60];
	v54 =	vadd.f32 v54, v63  }
0xc6: {  	v12 =	vmov v19;
	v46 =	vmul.f32 v36, v46;
	v3 =	vmul.f32 v62, v28;
	v51 =	vpop (erf);
	v8 =	vld [tilespmem:s17+$0xBE0]  }
0xc7: {  	v16 =	vmovc v1;
	v53 =	vmul.f32 v53, v28;
	v39 =	vmul.f32 v51, v0;
	v48 =	vadd.f32 v48, v54;
	v54 =	vld [tilespmem:s17+$0xB30]  }
0xc8: {  	v19 =	vmovc v33;
	v1 =	vadd.f32 v60, v38;
	v38 =	vadd.f32 v49, v33;
	v49 =	vld [tilespmem:s17+$0xBB0];
	v33 =	vmul.f32 v45, v28  }
0xc9: {  	v46 =	vadd.f32 v46, v13;
	v63 =	vld [tilespmem:s17+$0xAE0];
	v60 =	vmul.f32 v5, v31;
	v5 =	vmul.f32 v44, v26  }
0xca: {  	v44 =	vmul.f32 v59, v26;
	v48 =	vadd.f32 v39, v48;
	v39 =	vmul.f32 v55, v32;
	v55 =	vld [tilespmem:$0x1FFE0]  }
0xcb: {  	v59 =	vmul.f32 v35, v26;
	v35 =	vmul.f32 v56, v27;
	v56 =	vadd.f32 v3, v1;
	v1 =	vld [tilespmem:s17+$0xCD0]  }
0xcc: {  	v61 =	vmul.f32 v61, v27;
	v36 =	vadd.f32 v52, v48;
	v48 =	vld [tilespmem:s17+$0xCE0];
	v54 =	vmul.f32 v54, v32  }
0xcd: {  	v34 =	vmul.f32 v34, v27;
	v3 =	vmul.f32 v9, v28;
	v52 =	vadd.f32 v60, v46;
	v46 =	vld [tilespmem:s17+$0xCA0]  }
0xce: {  	v62 =	vpop (erf);
	v60 =	vld [tilespmem:s17+$0xBF0];
	v45 =	vadd.f32 v57, v36;
	v57 =	vmul.f32 v25, v30;
	v43 =	vadd.f32 v54, v43  }
0xcf: {  	v25 =	vmovc v13;
	v13 =	vmov v4;
	v4 =	vmul.f32 v62, v4;
	v62 =	vld [tilespmem:s17+$0xDC0];
	v50 =	vadd.f32 v50, v55  }
0xd0: {  	v36 =	vmul.f32 v63, v26;
	v24 =	vmovc v55;
	v55 =	vld [tilespmem:s17+$0xBD0];
	v45 =	vadd.f32 v58, v45;
	v43 =	vadd.f32 v57, v43  }
0xd1: {  	v14 =	vmovc v0;
	v0 =	vadd.f32 v40, v41;
	v54 =	vld [tilespmem:s17+$0xC70];
	v58 =	vmul.f32 v6, v31;
	v57 =	vmul.f32 v7, v30  }
0xd2: {  	v48 =	vmul.f32 v48, v26;
	v41 =	vadd.f32 v4, v45;
	v45 =	vld [tilespmem:s17+$0xCB0];
	v43 =	vadd.f32 v53, v43  }
0xd3: {  	v63 =	vmul.f32 v46, v29;
	v7 =	vadd.f32 v58, v50;
	v50 =	vmul.f32 v42, v31;
	v58 =	vld [tilespmem:s17+$0xBC0]  }
0xd4: {  	v42 =	vadd.f32 v5, v56;
	v53 =	vmul.f32 v49, v32;
	v40 =	vadd.f32 v59, v43;
	v59 =	vld [tilespmem:s17+$0xCC0]  }
0xd5: {  	v4 =	vadd.f32 v57, v47;
	v49 =	vmul.f32 v8, v26;
	v57 =	vld [tilespmem:$0x1FFF0];
	v6 =	vmul.f32 $1.442695020e+00, v41  }
0xd6: {  	v47 =	vmul.f32 v55, v28;
	v51 =	vadd.f32 v63, v7;
	v63 =	vld [tilespmem:s17+$0xD20];
	v46 =	vmul.f32 v54, v27  }
0xd7: {  	v54 =	vld [tilespmem:s17+$0xD90];
	v55 =	vadd.f32 v53, v0;
	(erf) = vpow2.f32 v6;
	v7 =	vmul.f32 v45, v32  }
0xd8: {  	v53 =	vld [tilespmem:s17+$0xDB0];
	v61 =	vadd.f32 v61, v40;
	v45 =	vmul.f32 v60, v27;
	v40 =	vmul.f32 v62, v30  }
0xd9: {  	s31 =	sshll.u32 s20, $0xA;
	s23 =	simm.s32 $0x20;
	v56 =	vmul.f32 v58, v30;
	v58 =	vld [tilespmem:s17+$0xCF0];
	v6 =	vadd.f32 v7, v51;
	v7 =	vmul.f32 v59, v30  }
0xda: {  	p2 =	por p1, p1;
	s24 =	simm.s32 $0x420;
	s20 =	sand.u32 $0x3FFFFC00, s31;
	v10 =	vmovc v22;
	v60 =	vld [tilespmem:s17+$0xD40];
	v22 =	vmovc v57;
	v43 =	vadd.f32 v2, v57;
	v57 =	vadd.f32 v3, v4;
	v51 =	vmul.f32 $1.442695020e+00, v61  }
0xdb: {  	s22 =	simm.s32 $0x0;
	s21 =	simm.s32 $0x10;
	s20 =	sadd.s32 $0x1500, s20;
	v61 =	vmul.f32 v1, v28;
	v63 =	vmul.f32 v63, v29;
	v59 =	vld [tilespmem:s17+$0xD30];
	v62 =	vadd.f32 v7, v6  }
.LBB2_5:
0xdc: {  	v0 =	vld [tilespmem:s24+$0x0]  }
0xdd: {  	v50 =	vadd.f32 v50, v38;
	v7 =	vld [tilespmem:s17+$0xD50]  }
0xde: {  	v55 =	vadd.f32 v56, v55;
	v52 =	vadd.f32 v63, v52;
	v63 =	vld [tilespmem:$0x1FF30]  }
0xdf: {  	v6 =	vadd.f32 v61, v62;
	v44 =	vadd.f32 v44, v57;
	v57 =	vld [tilespmem:$0x1FF90]  }
0xe0: {  	v37 =	vadd.f32 v37, v50;
	v47 =	vadd.f32 v47, v55;
	v55 =	vld [tilespmem:s17+$0xD70];
	v38 =	vmul.f32 v53, v32  }
0xe1: {  	v48 =	vadd.f32 v48, v6;
	v1 =	vmul.f32 v58, v27;
	v61 =	vmul.f32 v60, v30;
	v60 =	vld [tilespmem:$0x1FF60]  }
0xe2: {  	v59 =	vmul.f32 v59, v32;
	v0 =	vshll.u32 v0, $0x3;
	v3 =	vmul.f32 v7, v28;
	v7 =	vld [tilespmem:s17+$0xDA0]  }
0xe3: {  	v37 =	vadd.f32 v39, v37;
	v62 =	vadd.f32 v1, v48;
	v48 =	vld [tilespmem:s17+$0xD60];
	v0 =	vadd.s32 v63, v0  }
0xe4: {  	v31 =	vmul.f32 v54, v31;
	v47 =	vadd.f32 v49, v47;
	v32 =	vadd.f32 v59, v52;
	v52 =	vld [tilespmem:s17+$0xAC0]  }
0xe5: {  	s19 =	sadd.s32 $0x10, s19;
	v63 =	vld [tilespmem:$0x1FF70];
	v53 =	vadd.s32 $0x1, v0;
	v54 =	vadd.s32 $0x2, v0;
	v56 =	vadd.s32 $0x3, v0  }
0xe6: {  	s26 =	sand.u32 $0x380, s22;
	v4 =	vadd.s32 $0x4, v0;
	v50 =	vpop (erf);
	v32 =	vadd.f32 v61, v32;
	v39 =	vmul.f32 $1.442695020e+00, v62;
	v61 =	vld [tilespmem:s19+$0x0]  }
0xe7: {  	s31 =	sand.u32 $0x70, s22;
	s26 =	sadd.s32 s26, s20;
	v6 =	vadd.s32 $0x6, v0;
	v41 =	vpsel p0, v50, v41;
	v50 =	vmul.f32 v55, v27;
	v55 =	vld [tilespmem:$0x1FFB0]  }
0xe8: {  	s26 =	sadd.s32 s31, s26;
	v5 =	vadd.s32 $0x5, v0;
	v59 =	vadd.s32 $0x7, v0;
	(erf) = vpow2.f32 v39;
	v0 =	vld.idx.msk [tilespmem:v0+s10+$0x0], $0xffff  }
0xe9: {  	[tilespmem:s26+$0x0] =	vst v41;
	(erf) = vpow2.f32 v51;
	v51 =	vld [tilespmem:$0x1FF40]  }
0xea: {  	v44 =	vadd.f32 v46, v44;
	v45 =	vadd.f32 v45, v47;
	v39 =	vld.idx.msk [tilespmem:v54+s10+$0x0], $0xffff  }
0xeb: {  	v32 =	vadd.f32 v3, v32;
	v48 =	vmul.f32 v48, v26;
	v30 =	vmul.f32 v52, v30;
	v46 =	vld.idx.msk [tilespmem:v4+s10+$0x0], $0xffff  }
0xec: {  	v44 =	vmul.f32 $1.442695020e+00, v44;
	v31 =	vadd.f32 v31, v43;
	v29 =	vmul.f32 v7, v29;
	v43 =	vld.idx.msk [tilespmem:v6+s10+$0x0], $0xffff  }
0xed: {  	v32 =	vadd.f32 v48, v32;
	v30 =	vadd.f32 v30, v37;
	v37 =	vmul.f32 $1.442695020e+00, v45;
	v45 =	vld.idx.msk [tilespmem:v5+s10+$0x0], $0xffff  }
0xee: {  	v31 =	vadd.f32 v29, v31;
	v5 =	vld [tilespmem:$0x1FF80];
	v52 =	vmul.f32 v61, v51  }
0xef: {  	v54 =	vld [tilespmem:$0x1FF50];
	(erf) = vpow2.f32 v44;
	v58 =	vmul.f32 v61, v57;
	v32 =	vadd.f32 v50, v32  }
0xf0: {  	v44 =	vld [tilespmem:$0x1FFA0];
	v29 =	vmul.f32 v61, v60;
	v4 =	vmul.f32 v61, v63;
	v0 =	vadd.f32 v0, v52  }
0xf1: {  	v48 =	vmul.f32 v61, v55;
	v32 =	vmul.f32 $1.442695020e+00, v32  }
0xf2: {  	v31 =	vadd.f32 v38, v31;
	v30 =	vadd.f32 v33, v30;
	v33 =	vld.idx.msk [tilespmem:v53+s10+$0x0], $0xffff;
	v0 =	vmul.f32 $1.442695020e+00, v0  }
0xf3: {  	v62 =	vld.idx.msk [tilespmem:v56+s10+$0x0], $0xffff;
	v2 =	vadd.f32 v39, v29;
	v6 =	vmul.f32 v61, v5;
	v55 =	vpop (erf);
	(erf) = vpow2.f32 v32  }
0xf4: {  	v7 =	vld.idx.msk [tilespmem:v59+s10+$0x0], $0xffff;
	v47 =	vmul.f32 v61, v54;
	v54 =	vadd.f32 v46, v4;
	(erf) = vpow2.f32 v0  }
0xf5: {  	v53 =	vmul.f32 v61, v44;
	v56 =	vmul.f32 $1.442695020e+00, v2;
	v43 =	vadd.f32 v43, v6  }
0xf6: {  	v41 =	vld [tilespmem:s17+$0xC90];
	v30 =	vadd.f32 v36, v30;
	v45 =	vadd.f32 v45, v58;
	v39 =	vmul.f32 $1.442695020e+00, v54  }
0xf7: {  	v57 =	vld [tilespmem:s17+$0xDD0];
	v29 =	vpop (erf);
	v33 =	vadd.f32 v33, v53;
	v59 =	vmul.f32 $1.442695020e+00, v43;
	(erf) = vpow2.f32 v56  }
0xf8: {  	v1 =	vld [tilespmem:s17+$0xA50];
	v58 =	vadd.f32 v62, v48;
	v45 =	vmul.f32 $1.442695020e+00, v45;
	(erf) = vpow2.f32 v39  }
0xf9: {  	v8 =	vld [tilespmem:s17+$0xA70];
	v60 =	vadd.f32 v7, v47;
	v61 =	vmul.f32 $1.442695020e+00, v33;
	(erf) = vpow2.f32 v59  }
0xfa: {  	v9 =	vld [tilespmem:s17+$0xB60];
	v63 =	vadd.f32 $1.000000000e+00, v55;
	v36 =	vmul.f32 $1.442695020e+00, v58;
	(erf) = vpow2.f32 v45  }
0xfb: {  	v38 =	vld [tilespmem:s18+$0xD80];
	v5 =	vpop (erf);
	v6 =	vmul.f32 $1.442695020e+00, v60;
	(erf) = vpow2.f32 v61  }
0xfc: {  	v31 =	vadd.f32 v40, v31;
	v0 =	vmul.f32 v57, v28;
	v28 =	vld [tilespmem:s17+$0xDE0];
	(erf) = vrcp.f32 v63;
	v49 =	vpop (erf)  }
0xfd: {  	v4 =	vadd.f32 v34, v42;
	v42 =	vld [tilespmem:s18+$0xD00];
	v34 =	vadd.f32 $1.000000000e+00, v49;
	v50 =	vpop (erf);
	(erf) = vpow2.f32 v36  }
0xfe: {  	v62 =	vld [tilespmem:s17+$0xDF0];
	v30 =	vadd.f32 v35, v30;
	v51 =	vadd.f32 $1.000000000e+00, v50;
	(erf) = vpow2.f32 v6  }
0xff: {  	v44 =	vld [tilespmem:s17+$0xC30];
	v32 =	vmul.f32 $1.442695020e+00, v4;
	(erf) = vrcp.f32 v34  }
0x100: {  	v48 =	vld [tilespmem:s17+$0xB10];
	v30 =	vmul.f32 $1.442695020e+00, v30;
	v52 =	vpop (erf);
	(erf) = vrcp.f32 v51  }
0x101: {  	v35 =	vld [tilespmem:s17+$0xBA0];
	v26 =	vmul.f32 v28, v26;
	v28 =	vpop (erf);
	(erf) = vpow2.f32 v32  }
0x102: {  	v4 =	vld [tilespmem:s17+$0xA20];
	v0 =	vadd.f32 v0, v31;
	v28 =	vadd.f32 $1.000000000e+00, v28;
	v31 =	vpop (erf);
	(erf) = vpow2.f32 v37  }
0x103: {  	v58 =	vld [tilespmem:s18+$0xC00];
	v27 =	vmul.f32 v62, v27;
	v53 =	vadd.f32 $1.000000000e+00, v31;
	v31 =	vpop (erf);
	(erf) = vpow2.f32 v30  }
0x104: {  	v7 =	vadd.f32 $1.000000000e+00, v5;
	v61 =	vld [tilespmem:$0x1FFC0];
	v0 =	vadd.f32 v26, v0;
	v30 =	vpop (erf);
	(erf) = vrcp.f32 v28  }
0x105: {  	v54 =	vadd.f32 $1.000000000e+00, v52;
	v28 =	vadd.f32 $1.000000000e+00, v31;
	v31 =	vld [tilespmem:s18+$0xA00];
	v26 =	vpop (erf);
	(erf) = vrcp.f32 v53  }
0x106: {  	v56 =	vld [tilespmem:s18+$0xB00];
	v0 =	vadd.f32 v27, v0;
	v55 =	vadd.f32 $1.000000000e+00, v30;
	v57 =	vpop (erf);
	(erf) = vrcp.f32 v7  }
0x107: {  	v59 =	vld [tilespmem:s18+$0xA80];
	(erf) = vrcp.f32 v54;
	v27 =	vpop (erf)  }
0x108: {  	v62 =	vld [tilespmem:s18+$0xB80];
	v0 =	vmul.f32 $1.442695020e+00, v0;
	(erf) = vrcp.f32 v55;
	v30 =	vpop (erf)  }
0x109: {  	v2 =	vld [tilespmem:s17+$0xC20];
	v40 =	vmul.f32 v26, v15;
	v3 =	vadd.f32 $1.000000000e+00, v57;
	v47 =	vpop (erf);
	(erf) = vrcp.f32 v28  }
0x10a: {  	v60 =	vld [tilespmem:s18+$0xC80];
	v27 =	vadd.f32 $1.000000000e+00, v27;
	v46 =	vmul.f32 v30, v61;
	v28 =	vmul.f32 v31, v47  }
0x10b: {  	v49 =	vld [tilespmem:s17+$0xA30];
	(erf) = vrcp.f32 v3;
	v31 =	vmul.f32 v56, v47  }
0x10c: {  	v29 =	vadd.f32 $1.000000000e+00, v29;
	v7 =	vld [tilespmem:s17+$0xA40];
	v26 =	vpop (erf);
	v36 =	vmul.f32 v58, v47;
	v37 =	vmul.f32 v59, v47  }
0x10d: {  	v58 =	vmul.f32 v62, v47;
	v62 =	vld [tilespmem:s17+$0xA60];
	v5 =	vadd.f32 $1.000000000e+00, v26;
	v6 =	vpop (erf);
	(erf) = vpow2.f32 v0  }
0x10e: {  	v54 =	vmul.f32 v38, v47;
	v0 =	vadd.f32 v28, v18;
	v28 =	vld [tilespmem:s17+$0xB20];
	(erf) = vrcp.f32 v27;
	v27 =	vpop (erf)  }
0x10f: {  	v50 =	vld [tilespmem:s17+$0xAA0];
	v56 =	vmul.f32 v60, v47;
	v30 =	vpop (erf);
	v63 =	vadd.f32 $1.000000000e+00, v27;
	(erf) = vrcp.f32 v5  }
0x110: {  	v32 =	vld [tilespmem:s17+$0xAD0];
	v42 =	vmul.f32 v42, v47;
	v3 =	vadd.f32 $1.000000000e+00, v6;
	v26 =	vpop (erf);
	(erf) = vrcp.f32 v29  }
0x111: {  	v6 =	vld [tilespmem:s17+$0xC10];
	v52 =	vmul.f32 v7, v30;
	(erf) = vrcp.f32 v63;
	v27 =	vpop (erf)  }
0x112: {  	v5 =	vld [tilespmem:s17+$0xA10];
	v62 =	vmul.f32 v62, v26;
	v29 =	vpop (erf);
	(erf) = vrcp.f32 v3  }
0x113: {  	v34 =	vld [tilespmem:s17+$0xB90];
	v57 =	vadd.f32 v31, v20;
	v61 =	vmul.f32 v27, v16;
	v59 =	vmul.f32 v28, v29  }
0x114: {  	v43 =	vld [tilespmem:s17+$0xC40];
	v38 =	vadd.f32 v37, v19;
	v31 =	vpop (erf);
	v37 =	vmul.f32 v50, v29;
	v55 =	vmul.f32 v4, v29  }
0x115: {  	v36 =	vadd.f32 v36, v23;
	v50 =	vld [tilespmem:s17+$0xAB0];
	v2 =	vmul.f32 v2, v29;
	v28 =	vpop (erf);
	v48 =	vmul.f32 v48, v31  }
0x116: {  	v45 =	vld [tilespmem:s17+$0xB40];
	v56 =	vadd.f32 v56, v24;
	v60 =	vmul.f32 v6, v31;
	v33 =	vmul.f32 v32, v28;
	v32 =	vpop (erf)  }
0x117: {  	v53 =	vld [tilespmem:s17+$0xB50];
	v42 =	vadd.f32 v42, v25;
	v51 =	vmul.f32 v1, v28;
	v1 =	vmul.f32 v5, v31;
	v7 =	vpop (erf)  }
0x118: {  	v6 =	vld [tilespmem:s17+$0xB70];
	v5 =	vmul.f32 v34, v31;
	v49 =	vmul.f32 v49, v32;
	v60 =	vadd.f32 v60, v36;
	v27 =	vpop (erf)  }
0x119: {  	v3 =	vmul.f32 v44, v32;
	v48 =	vadd.f32 v48, v57;
	v0 =	vadd.f32 v1, v0;
	v1 =	vld [tilespmem:s17+$0xAF0];
	v4 =	vpop (erf)  }
0x11a: {  	v63 =	vadd.f32 $1.000000000e+00, v7;
	v39 =	vmul.f32 v50, v32;
	v50 =	vld [tilespmem:s17+$0xAE0];
	v2 =	vadd.f32 v2, v60;
	v34 =	vpop (erf)  }
0x11b: {  	v44 =	vld [tilespmem:s17+$0xC60];
	v59 =	vadd.f32 v59, v48;
	v4 =	vmul.f32 v4, v10;
	v0 =	vadd.f32 v55, v0;
	v7 =	vpop (erf)  }
0x11c: {  	v48 =	vld [tilespmem:s17+$0xBB0];
	v2 =	vadd.f32 v3, v2;
	v57 =	vpop (erf);
	(erf) = vrcp.f32 v63;
	v63 =	vmul.f32 v34, v12  }
0x11d: {  	v3 =	vld [tilespmem:s17+$0xD10];
	v4 =	vadd.f32 v4, v11;
	v7 =	vmul.f32 v7, v17;
	v34 =	vmul.f32 v8, v27  }
0x11e: {  	v55 =	vadd.f32 v58, v21;
	v8 =	vmul.f32 v35, v29;
	v35 =	vmul.f32 v1, v27;
	v1 =	vld [tilespmem:s17+$0xB30]  }
0x11f: {  	v0 =	vadd.f32 v49, v0;
	v36 =	vmul.f32 v50, v26;
	v50 =	vld [tilespmem:s17+$0xCE0];
	v4 =	vadd.f32 v7, v4  }
0x120: {  	v9 =	vmul.f32 v9, v26;
	v53 =	vmul.f32 v53, v28;
	v5 =	vadd.f32 v5, v55;
	v7 =	vld [tilespmem:s17+$0xA90]  }
0x121: {  	v60 =	vmul.f32 v57, v14;
	v0 =	vadd.f32 v52, v0;
	v52 =	vld [tilespmem:s17+$0xBE0];
	v4 =	vadd.f32 v63, v4  }
0x122: {  	v6 =	vmul.f32 v6, v27;
	v58 =	vmul.f32 v43, v30;
	v5 =	vadd.f32 v8, v5;
	v8 =	vld [tilespmem:s17+$0xC50]  }
0x123: {  	v55 =	vmul.f32 v48, v32;
	v63 =	vld [tilespmem:s17+$0xBD0];
	v3 =	vmul.f32 v3, v31;
	v4 =	vadd.f32 v60, v4  }
0x124: {  	v43 =	vadd.f32 v54, v22;
	v1 =	vmul.f32 v1, v32;
	v60 =	vld [tilespmem:s17+$0xCB0];
	v48 =	vmul.f32 v50, v26  }
0x125: {  	v50 =	vmul.f32 v7, v31;
	v7 =	vmul.f32 v45, v30;
	v45 =	vld [tilespmem:s17+$0xBF0];
	v4 =	vadd.f32 v61, v4  }
0x126: {  	v44 =	vmul.f32 v44, v26;
	v2 =	vadd.f32 v58, v2;
	v1 =	vadd.f32 v1, v59;
	v61 =	vld [tilespmem:s17+$0xCA0]  }
0x127: {  	v49 =	vmul.f32 v52, v26;
	v52 =	vadd.f32 v3, v42;
	v3 =	vld [tilespmem:s17+$0xBC0];
	v4 =	vadd.f32 v40, v4  }
0x128: {  	v0 =	vadd.f32 v51, v0;
	v59 =	vld [tilespmem:s17+$0xCC0];
	v57 =	vpop (erf);
	v47 =	vmul.f32 v63, v28;
	v1 =	vadd.f32 v7, v1  }
0x129: {  	v63 =	vmul.f32 v41, v31;
	v40 =	vld [tilespmem:s17+$0xC70];
	v57 =	vmul.f32 v57, v13;
	v4 =	vadd.f32 v46, v4  }
0x12a: {  	v7 =	vmul.f32 v8, v28;
	v8 =	vld [tilespmem:s17+$0xDC0];
	v42 =	vmul.f32 v60, v32;
	v1 =	vadd.f32 v53, v1  }
0x12b: {  	v60 =	vmul.f32 v61, v29;
	v61 =	vld [tilespmem:s17+$0xCD0];
	v41 =	vadd.f32 v57, v4;
	v4 =	vadd.f32 v63, v56  }
0x12c: {  	p1 =	sne.s32 s23, $0x3F0;
	v55 =	vadd.f32 v55, v5;
	v45 =	vmul.f32 v45, v27;
	v1 =	vadd.f32 v9, v1;
	v9 =	vld [tilespmem:s17+$0xD20]  }
.Ltmp1:
0x12d: {  	v54 =	vld [tilespmem:s17+$0xD90];
	v56 =	vmul.f32 v3, v30;
	v57 =	vadd.f32 v7, v2;
	v4 =	vadd.f32 v60, v4;
	(pc) =	sbr.rel @p1 .LBB2_5-.Ltmp1, $4  }
0x12e: {  	v58 =	vld [tilespmem:s17+$0xCF0];
	v46 =	vmul.f32 v40, v27;
	v63 =	vmul.f32 $1.442695020e+00, v41;
	v1 =	vadd.f32 v6, v1  }
0x12f: {  	v53 =	vld [tilespmem:s17+$0xDB0];
	v40 =	vmul.f32 v8, v30;
	v3 =	vadd.f32 v42, v4;
	v4 =	vmul.f32 v59, v30  }
0x130: {  	s25 =	smov.u32 s23;
	s23 =	sadd.s32 $0x10, s23;
	v60 =	vld [tilespmem:s17+$0xD40];
	(erf) = vpow2.f32 v63;
	v42 =	vadd.f32 v62, v0;
	v51 =	vmul.f32 $1.442695020e+00, v1  }
0x131: {  	s22 =	smov.u32 s21;
	s24 =	sadd.s32 $0x10, s24;
	s21 =	smov.u32 s25;
	v59 =	vld [tilespmem:s17+$0xD30];
	v61 =	vmul.f32 v61, v28;
	v63 =	vmul.f32 v9, v29;
	v62 =	vadd.f32 v4, v3  }
0x132: {  	_ =	sdelay $0x2  }
0x133: {  	v0 =	vld [tilespmem:s17+$0xD50]  }
0x134: {  	v1 =	vadd.f32 v63, v52;
	v2 =	vmul.f32 v59, v32  }
0x135: {  	v3 =	vld [tilespmem:s17+$0xD60]  }
0x136: {  	v60 =	vmul.f32 v60, v30;
	v1 =	vadd.f32 v2, v1  }
0x137: {  	v5 =	vld [tilespmem:s17+$0xD70];
	v4 =	vadd.f32 v61, v62  }
0x138: {  	v0 =	vmul.f32 v0, v28;
	v1 =	vadd.f32 v60, v1  }
0x139: {  	v8 =	vmul.f32 v58, v27;
	v63 =	vadd.f32 v48, v4  }
0x13a: {  	v9 =	vmul.f32 v3, v26;
	v0 =	vadd.f32 v0, v1  }
0x13b: {  	v18 =	vadd.f32 v44, v57;
	v2 =	vadd.f32 v8, v63  }
0x13c: {  	v19 =	vmul.f32 v5, v27;
	v0 =	vadd.f32 v9, v0  }
0x13d: {  	v3 =	vadd.f32 v46, v18;
	v2 =	vmul.f32 $1.442695020e+00, v2  }
0x13e: {  	v0 =	vadd.f32 v19, v0  }
0x13f: {  	v20 =	vld [tilespmem:s17+$0xAC0];
	v21 =	vmul.f32 $1.442695020e+00, v3;
	(erf) = vpow2.f32 v2  }
0x140: {  	v22 =	vadd.f32 v50, v38;
	(erf) = vpow2.f32 v51;
	v0 =	vmul.f32 $1.442695020e+00, v0  }
0x141: {  	(erf) = vpow2.f32 v21  }
0x142: {  	v25 =	vld [tilespmem:s17+$0xDA0];
	v23 =	vadd.f32 v37, v22;
	(erf) = vpow2.f32 v0;
	_ =	sdelay $0x1  }
0x143: {  	v2 =	vadd.f32 v39, v23;
	v1 =	vmul.f32 v20, v30  }
0x144: {  	v31 =	vmul.f32 v54, v31  }
0x145: {  	v24 =	vadd.f32 v56, v55;
	v1 =	vadd.f32 v1, v2  }
0x146: {  	v4 =	vadd.f32 v31, v43;
	v3 =	vmul.f32 v25, v29;
	v30 =	vpop (erf)  }
0x147: {  	v1 =	vadd.f32 v33, v1;
	v0 =	vadd.f32 v47, v24;
	v33 =	vpop (erf)  }
0x148: {  	v3 =	vadd.f32 v3, v4;
	v6 =	vpop (erf)  }
0x149: {  	v9 =	vadd.f32 v34, v42;
	v0 =	vadd.f32 v49, v0;
	v7 =	vpop (erf)  }
0x14a: {  	v8 =	vld [tilespmem:s17+$0xDD0];
	v1 =	vadd.f32 v36, v1;
	v5 =	vadd.f32 $1.000000000e+00, v33;
	v19 =	vpop (erf)  }
0x14b: {  	v18 =	vmul.f32 v53, v32;
	v0 =	vadd.f32 v45, v0;
	v34 =	vadd.f32 $1.000000000e+00, v19  }
0x14c: {  	v37 =	vmul.f32 $1.442695020e+00, v9;
	v36 =	vld [tilespmem:s17+$0xDE0];
	v1 =	vadd.f32 v35, v1;
	(erf) = vrcp.f32 v5  }
0x14d: {  	v3 =	vadd.f32 v18, v3;
	v0 =	vmul.f32 $1.442695020e+00, v0;
	(erf) = vrcp.f32 v34  }
0x14e: {  	v38 =	vld [tilespmem:s17+$0xDF0];
	v1 =	vmul.f32 $1.442695020e+00, v1;
	(erf) = vpow2.f32 v37  }
0x14f: {  	v39 =	vmul.f32 v8, v28;
	v3 =	vadd.f32 v40, v3;
	(erf) = vpow2.f32 v0  }
0x150: {  	(erf) = vpow2.f32 v1  }
0x151: {  	v42 =	vadd.f32 v39, v3;
	v43 =	vmul.f32 v36, v26;
	_ =	sdelay $0x1  }
0x152: {  	v44 =	vmul.f32 v38, v27;
	v0 =	vadd.f32 v43, v42;
	_ =	sdelay $0x1  }
0x153: {  	v45 =	vpop (erf);
	v0 =	vadd.f32 v44, v0  }
0x154: {  	v46 =	vadd.f32 $1.000000000e+00, v7;
	v47 =	vpop (erf)  }
0x155: {  	v0 =	vmul.f32 $1.442695020e+00, v0;
	v48 =	vpop (erf)  }
0x156: {  	(erf) = vrcp.f32 v46;
	v49 =	vadd.f32 $1.000000000e+00, v48;
	v50 =	vpop (erf)  }
0x157: {  	v6 =	vadd.f32 $1.000000000e+00, v6;
	(erf) = vpow2.f32 v0;
	v51 =	vpop (erf)  }
0x158: {  	v0 =	vadd.f32 $1.000000000e+00, v51;
	(erf) = vrcp.f32 v49  }
0x159: {  	(erf) = vrcp.f32 v6  }
0x15a: {  	(erf) = vrcp.f32 v0;
	_ =	sdelay $0x1  }
0x15b: {  	v52 =	vadd.f32 $1.000000000e+00, v50;
	_ =	sdelay $0x1  }
0x15c: {  	(erf) = vrcp.f32 v52  }
0x15d: {  	v53 =	vpop (erf)  }
0x15e: {  	v54 =	vpop (erf)  }
0x15f: {  	v55 =	vpop (erf)  }
0x160: {  	v6 =	vpop (erf);
	v5 =	vmul.f32 v55, v10  }
0x161: {  	v56 =	vpop (erf)  }
0x162: {  	v3 =	vadd.f32 $1.000000000e+00, v54;
	v5 =	vadd.f32 v5, v11;
	v7 =	vmul.f32 v56, v17;
	_ =	sdelay $0x1  }
0x163: {  	(erf) = vrcp.f32 v3;
	v57 =	vmul.f32 v6, v12;
	v5 =	vadd.f32 v7, v5  }
0x164: {  	v58 =	vpop (erf)  }
0x165: {  	v59 =	vmul.f32 v58, v14;
	v3 =	vadd.f32 v57, v5  }
0x166: {  	v60 =	vld [tilespmem:$0x1FFC0]  }
0x167: {  	v0 =	vmul.f32 v53, v16;
	v3 =	vadd.f32 v59, v3;
	_ =	sdelay $0x1  }
0x168: {  	v1 =	vmul.f32 v45, v15;
	v0 =	vadd.f32 v0, v3;
	_ =	sdelay $0x1  }
0x169: {  	v3 =	vmul.f32 v47, v60;
	v0 =	vadd.f32 v1, v0  }
0x16a: {  	v61 =	vpop (erf)  }
0x16b: {  	v1 =	vmul.f32 v61, v13;
	v0 =	vadd.f32 v3, v0;
	_ =	sdelay $0x1  }
0x16c: {  	v0 =	vadd.f32 v1, v0;
	_ =	sdelay $0x1  }
0x16d: {  	v1 =	vmul.f32 $1.442695020e+00, v0;
	_ =	sdelay $0x1  }
0x16e: {  	(erf) = vpow2.f32 v1;
	_ =	sdelay $0x6  }
.Ltmp2:
0x16f: {  	s29 =	sand.u32 $0x380, s22;
	(pc) =	sbr.rel @p2 .LBB2_4-.Ltmp2, $4  }
0x170: {  	s18 =	sand.u32 $0x70, s22;
	s19 =	sand.u32 $0x380, s21;
	s17 =	sadd.s32 s29, s20  }
0x171: {  	s30 =	sand.u32 $0x70, s21;
	s19 =	sadd.s32 s19, s20;
	v62 =	vpsel p0, v30, v41;
	s17 =	sadd.s32 s18, s17;
	v63 =	vpop (erf)  }
0x172: {  	s31 =	sadd.s32 s30, s19;
	[tilespmem:s17+$0x0] =	vst v62;
	v0 =	vpsel p0, v63, v0  }
0x173: {  	p1 =	por $0x0, $0x0;
	s20 =	simm.s32 $0x1;
	p0 =	por $0x1, $0x1;
	[tilespmem:s31+$0x0] =	vst v0  }
0x174: {  	[hbm4b:s6+s3] =	stream.linear.scatter [tilespmem:s12], [sflag:$0x2], $0x400, $0x38;
	[tilespmem:$0x1D00] =	vst v63  }
0x175: {  	s15 =	sadd.s32 $0x1, s15;
	_ =	swait.ge [sflag:s13], $0x400  }
0x176: {  	p0 =	sne.s32 s15, s8;
	[sflag:s13] =	ssyncset.done $0x0  }
.Ltmp3:
0x177: {  	[sflag:s13] =	ssyncadd.s32 $0xFFFFFC00;
	(pc) =	sbr.rel @p0 .LBB2_1-.Ltmp3, $4  }
0x178: {  	[hbm4b:s7+s3] =	stream.linear.scatter [tilespmem:s14], [sflag:$0x2], $0x400, $0x38;
	[tilespmem:$0x1D00] =	vst v63  }
0x179: {  	_ =	swait.ge [sflag:s13], $0x400  }
0x17a: {  	[sflag:s13] =	ssyncset.done $0x0  }
0x17b: {  	[sflag:s13] =	ssyncadd.s32 $0xFFFFFC00  }
0x17c: {  	_ =	sfence.sel $0x180000  }
0x17d: {  	[bflag:$0x0] =	sbarrier.arrive $0xFFFF  }
0x17e: {  	p0 =	sne.s32 s2, $0x0;
	_ =	strace $0x90000047  }
0x17f: {  	s0 =	sadd.s32 @!p0 $0x100000, s0;
	[bflag:$0x2] =	sbarrier.arrive $0xFFFF  }
0x180: {  	[sflag:s0] =	ssyncadd.tile.s32 @!p0 $0x1;
	_ =	shalt  }
.Lfunc_end2:
_tile_overlayer_lowered:
.L_overlay_start_2:
0x181: {  	(tag) =	ssettag $0x2  }
0x182: {  	s0 =	rddreg [dreg:$0x0];
	s2 =	stileid.u32  }
0x183: {  	s1 =	rddreg [dreg:$0x1];
	p0 =	sne.s32 s2, $0x0  }
0x184: {  	s3 =	rddreg [dreg:$0x2];
	[bflag:$0x3] =	sbarrier.arrive $0xFFFF;
	s2 =	simm.s32 @!p0 $0x1C02  }
0x185: {  	[timem:s3], [sflag:s2] =	dma.local @!p0 [hbm:s0], s1  }
0x186: {  	s0 =	simm.s32 @!p0 $0x2  }
0x187: {  	_ =	swait.ge @!p0 [sflag:s0], s1  }
0x188: {  	s1 =	ssub.s32 @!p0 $0x0, s1;
	[sflag:s0] =	ssyncset.done @!p0 $0x0  }
0x189: {  	[sflag:s0] =	ssyncadd.s32 @!p0 s1  }
0x18a: {  	[bflag:$0x3] =	sbarrier.arrive $0xFFFF  }
0x18b: {  	_ =	shalt  }

</sc_bundles>
